<compile_context>
chip_gen: v7x
topology: tpu7x:2x2x1
jax: 0.10.2.dev20260603
libtpu: 0.0.44.dev20260713+nightly
codegen_flags: <defaults>
</compile_context>

<pallas_src>
import functools

import jax
import jax.numpy as jnp
from jax import lax
from jax.experimental import pallas as pl
from jax.experimental.pallas import tpu as pltpu
from jax.experimental.pallas import tpu_sc as plsc

_B, _C, _H, _W = 16, 256, 32, 32
_K, _D = 8192, 256
_N = _B * _H * _W

_TN = 512
_SEG = 2736
_SEGP = 2816
_NSEG = 3

_NC, _NS = 2, 16
_NW = _NC * _NS
_PER_W = _N // _NW
_GCHUNK = 128
_NBUF = 2


def _argmin_body(xsq_ref, esq_ref, x_ref, e_ref, idx_ref):
    x2 = (x_ref[...] * 2.0).astype(jnp.bfloat16)
    xsq = xsq_ref[...]
    lane = lax.broadcasted_iota(jnp.int32, (_TN, 128), 1).astype(jnp.float32)
    seg_v = []
    seg_i = []
    for j in range(_NSEG):
        e = e_ref[pl.ds(j * _SEGP, _SEGP), :]
        dots2 = lax.dot_general(
            x2, e, (((1,), (1,)), ((), ())),
            preferred_element_type=jnp.float32,
        )
        acc_v = None
        for c in range(_SEGP // 128):
            esq = esq_ref[:, pl.ds(j * _SEGP + c * 128, 128)]
            d_c = (xsq - dots2[:, c * 128:(c + 1) * 128]) + esq
            i_c = lane + jnp.float32(c * 128)
            if acc_v is None:
                acc_v, acc_i = d_c, i_c
            else:
                take = d_c < acc_v
                acc_v = jnp.minimum(acc_v, d_c)
                acc_i = jnp.where(take, i_c, acc_i)
        tmin = jnp.min(acc_v, axis=1, keepdims=True)
        tidx = jnp.min(jnp.where(acc_v == tmin, acc_i, jnp.float32(_K)),
                       axis=1, keepdims=True)
        seg_v.append(tmin)
        seg_i.append(tidx.astype(jnp.int32) + j * _SEG)
    cur_v = seg_v[0].astype(jnp.bfloat16).astype(jnp.float32)
    cur_i = seg_i[0]
    for j in (1, 2):
        take = seg_v[j] < cur_v
        cur_v = jnp.where(take, seg_v[j], cur_v).astype(
            jnp.bfloat16).astype(jnp.float32)
        cur_i = jnp.where(take, seg_i[j], cur_i)
    idx_ref[...] = cur_i


def _argmin_indices(flat, e_pad, xsq, esq_pad):
    return pl.pallas_call(
        _argmin_body,
        grid=(_N // _TN,),
        in_specs=[
            pl.BlockSpec((_TN, 1), lambda i: (i, 0)),
            pl.BlockSpec((1, _NSEG * _SEGP), lambda i: (0, 0)),
            pl.BlockSpec((_TN, _D), lambda i: (i, 0)),
            pl.BlockSpec((_NSEG * _SEGP, _D), lambda i: (0, 0)),
        ],
        out_specs=pl.BlockSpec((_TN, 1), lambda i: (i, 0)),
        out_shape=jax.ShapeDtypeStruct((_N, 1), jnp.int32),
    )(xsq, esq_pad, flat, e_pad)


@functools.cache
def _make_sc_gather():
    mesh = plsc.VectorSubcoreMesh(core_axis_name="c", subcore_axis_name="s")
    nchunk = _PER_W // _GCHUNK

    @functools.partial(
        pl.kernel,
        mesh=mesh,
        out_type=jax.ShapeDtypeStruct((_N, _D), jnp.float32),
        scratch_types=[
            pltpu.VMEM((_PER_W,), jnp.int32),
            pltpu.VMEM((_NBUF, _GCHUNK, _D), jnp.float32),
            pltpu.SemaphoreType.DMA,
            pltpu.SemaphoreType.DMA,
        ],
    )
    def _sc_gather(idx_hbm, table_hbm, out_hbm, idx_v, rows_v, sem0, sem1):
        wid = lax.axis_index("s") * _NC + lax.axis_index("c")
        base = wid * _PER_W
        pltpu.sync_copy(idx_hbm.at[pl.ds(base, _PER_W)], idx_v)
        sems = (sem0, sem1)
        copies = []
        for ci in range(nchunk):
            b = ci % _NBUF
            c = pltpu.async_copy(
                table_hbm.at[idx_v.at[pl.ds(ci * _GCHUNK, _GCHUNK)]],
                rows_v.at[b], sems[b])
            copies.append(c)
            if ci >= _NBUF - 1:
                w = ci - (_NBUF - 1)
                copies[w].wait()
                pltpu.sync_copy(
                    rows_v.at[w % _NBUF],
                    out_hbm.at[pl.ds(base + w * _GCHUNK, _GCHUNK), :])
        for w in range(nchunk - _NBUF + 1, nchunk):
            copies[w].wait()
            pltpu.sync_copy(
                rows_v.at[w % _NBUF],
                out_hbm.at[pl.ds(base + w * _GCHUNK, _GCHUNK), :])

    return _sc_gather


def kernel(x, embed_weight):
    x_p = jnp.transpose(x, (0, 2, 3, 1))
    flat = x_p.reshape(-1, _D)
    xsq = jnp.sum(flat * flat, axis=1, keepdims=True)
    esq = jnp.sum(embed_weight * embed_weight, axis=1)
    eb = embed_weight.astype(jnp.bfloat16)
    segs_e = []
    segs_q = []
    for j in range(_NSEG):
        lo = j * _SEG
        hi = min(lo + _SEG, _K)
        pad = _SEGP - (hi - lo)
        segs_e.append(jnp.pad(eb[lo:hi], ((0, pad), (0, 0))))
        segs_q.append(jnp.pad(esq[lo:hi], (0, pad),
                              constant_values=jnp.inf))
    e_pad = jnp.concatenate(segs_e, axis=0)
    esq_pad = jnp.concatenate(segs_q)[None, :]
    idx = _argmin_indices(flat, e_pad, xsq, esq_pad)
    quantized = _make_sc_gather()(idx.reshape(_N), embed_weight)
    return quantized.reshape(_B, _H, _W, _D)

# --- scband reference (transcript-rebuilt; emitter-appended) ---
"""Pipeline reference for scband-vq-5935644803109 (READ-ONLY COPY).

The authoritative reference and input builder live on the scoring server;
editing this copy changes nothing except your own understanding.
"""

import jax, jax.numpy as jnp
import numpy as np

B, C, H, W = 16, 256, 32, 32
K, D = 8192, 256

def setup_inputs(seed: int = 0) -> dict:
    key = jax.random.key(seed)
    k1, k2 = jax.random.split(key)
    x = jax.random.normal(k1, (B, C, H, W), dtype=jnp.float32)
    embed_weight = jax.random.normal(k2, (K, D), dtype=jnp.float32)
    return {"x": x, "embed_weight": embed_weight}

def reference(x, embed_weight):
    # permute NCHW -> NHWC (matches torch.permute(x, (0, 2, 3, 1)).contiguous())
    x_p = jnp.transpose(x, (0, 2, 3, 1))
    flat = x_p.reshape(-1, D)  # [B*H*W, D]
    # vector_quantizer: nearest codebook entry by squared L2 distance
    # ||z - e||^2 = ||z||^2 - 2 z.e + ||e||^2
    x_sq = jnp.sum(flat * flat, axis=1, keepdims=True)            # [N, 1]
    e_sq = jnp.sum(embed_weight * embed_weight, axis=1)[None, :]   # [1, K]
    dots = flat @ embed_weight.T                                   # [N, K] compute-heavy matmul
    dists = x_sq - 2.0 * dots + e_sq
    indices = jnp.argmin(dists, axis=1)                            # [N]
    quantized = jnp.take(embed_weight, indices, axis=0)            # gather [N, D]
    latent = quantized.reshape(x_p.shape)                          # [B, H, W, D]
    return latent

if __name__ == "__main__":
    import jax
    _d = setup_inputs()
    print(jax.jit(kernel)(*tuple(_d.values())))

</pallas_src>

<mosaic_0001>
#map = affine_map<(d0, d1) -> (0)>
#map1 = affine_map<(d0, d1) -> (0, 0)>
module attributes {stable_mosaic.version = 14 : i64} {
  func.func @_sc_gather(%arg0: i32, %arg1: i32, %arg2: memref<16384xi32, #tpu.memory_space<hbm>>, %arg3: memref<8192x256xf32, #tpu.memory_space<hbm>>, %arg4: memref<16384x256xf32, #tpu.memory_space<hbm>>, %arg5: memref<512xi32, #tpu.memory_space<vmem>>, %arg6: memref<2x128x256xf32, #tpu.memory_space<vmem>>, %arg7: memref<!tpu.dma_semaphore, #tpu.memory_space<semaphore_mem>>, %arg8: memref<!tpu.dma_semaphore, #tpu.memory_space<semaphore_mem>>) attributes {dimension_semantics = [#tpu.dimension_semantics<core_parallel>, #tpu.dimension_semantics<subcore_parallel>], iteration_bounds = array<i64: 2, 16>, scalar_prefetch = 0 : i64, scratch_operands = 4 : i64, tpu.core_type = #tpu.core_type<sc_vector_subcore>, window_params = [{transform_indices = #map}, {transform_indices = #map1}, {transform_indices = #map1}]} {
    %mul3A = arith.constant 2 : i32
    %mul3A_0 = arith.muli %arg1, %mul3A : i32
    %add3A = arith.addi %mul3A_0, %arg0 : i32
    %mul3A_1 = arith.constant 512 : i32
    %mul3A_2 = arith.muli %add3A, %mul3A_1 : i32
    "tpu.region"() ({
      %run_scoped3A_92 = tpu.sem_alloc : memref<!tpu.dma_semaphore, #tpu.memory_space<semaphore_mem>>
      %dma_start3A_93 = tpu.memref_slice %arg2[%mul3A_2] : memref<16384xi32, #tpu.memory_space<hbm>> -> memref<512xi32, #tpu.memory_space<hbm>>
      %dma_start3A_94 = tpu.memref_slice %arg2[%mul3A_2] : memref<16384xi32, #tpu.memory_space<hbm>> -> memref<512xi32, #tpu.memory_space<hbm>>
      tpu.enqueue_dma source(%dma_start3A_94 : memref<512xi32, #tpu.memory_space<hbm>>) target(%arg5 : memref<512xi32, #tpu.memory_space<vmem>>) target_semaphore(%run_scoped3A_92 : memref<!tpu.dma_semaphore, #tpu.memory_space<semaphore_mem>>)
      %dma_wait3A_95 = tpu.memref_slice %arg2[%mul3A_2] : memref<16384xi32, #tpu.memory_space<hbm>> -> memref<512xi32, #tpu.memory_space<hbm>>
      %dma_wait3A_96 = tpu.memref_slice %arg2[%mul3A_2] : memref<16384xi32, #tpu.memory_space<hbm>> -> memref<512xi32, #tpu.memory_space<hbm>>
      tpu.wait_dma2 semaphore(%run_scoped3A_92 : memref<!tpu.dma_semaphore, #tpu.memory_space<semaphore_mem>>) src(%dma_wait3A_96 : memref<512xi32, #tpu.memory_space<hbm>>) dst(%arg5 : memref<512xi32, #tpu.memory_space<vmem>>)
      tpu.yield
    }) : () -> ()
    %dma_start3A = arith.constant 0 : i32
    %dma_start3A_3 = arith.constant 0 : i32
    %dma_start3A_4 = arith.constant 0 : i32
    %dma_start3A_5 = tpu.memref_slice %arg6[%dma_start3A, %dma_start3A_3, %dma_start3A_4] : memref<2x128x256xf32, #tpu.memory_space<vmem>> -> memref<1x128x256xf32, #tpu.memory_space<vmem>>
    %dma_start3A_6 = tpu.memref_squeeze %dma_start3A_5 : memref<1x128x256xf32, #tpu.memory_space<vmem>> -> memref<128x256xf32, #tpu.memory_space<vmem>>
    %dma_start3A_7 = arith.constant 0 : i32
    %dma_start3A_8 = tpu.memref_slice %arg5[%dma_start3A_7] : memref<512xi32, #tpu.memory_space<vmem>> -> memref<128xi32, #tpu.memory_space<vmem>>
    %dma_start3A_9 = arith.constant 0 : i32
    %dma_start3A_10 = arith.constant 0 : i32
    %dma_start3A_11 = tpu.memref_slice %arg3[%dma_start3A_9, %dma_start3A_10] : memref<8192x256xf32, #tpu.memory_space<hbm>> -> memref<8192x256xf32, #tpu.memory_space<hbm>>
    tpu.enqueue_indirect_dma source(%dma_start3A_11 : memref<8192x256xf32, #tpu.memory_space<hbm>>) target(%dma_start3A_6 : memref<128x256xf32, #tpu.memory_space<vmem>>) offsets(%dma_start3A_8 : memref<128xi32, #tpu.memory_space<vmem>>) semaphore(%arg7 : memref<!tpu.dma_semaphore, #tpu.memory_space<semaphore_mem>>)
    %dma_start3A_12 = arith.constant 1 : i32
    %dma_start3A_13 = arith.constant 0 : i32
    %dma_start3A_14 = arith.constant 0 : i32
    %dma_start3A_15 = tpu.memref_slice %arg6[%dma_start3A_12, %dma_start3A_13, %dma_start3A_14] : memref<2x128x256xf32, #tpu.memory_space<vmem>> -> memref<1x128x256xf32, #tpu.memory_space<vmem>>
    %dma_start3A_16 = tpu.memref_squeeze %dma_start3A_15 : memref<1x128x256xf32, #tpu.memory_space<vmem>> -> memref<128x256xf32, #tpu.memory_space<vmem>>
    %dma_start3A_17 = arith.constant 128 : i32
    %dma_start3A_18 = tpu.memref_slice %arg5[%dma_start3A_17] : memref<512xi32, #tpu.memory_space<vmem>> -> memref<128xi32, #tpu.memory_space<vmem>>
    %dma_start3A_19 = arith.constant 0 : i32
    %dma_start3A_20 = arith.constant 0 : i32
    %dma_start3A_21 = tpu.memref_slice %arg3[%dma_start3A_19, %dma_start3A_20] : memref<8192x256xf32, #tpu.memory_space<hbm>> -> memref<8192x256xf32, #tpu.memory_space<hbm>>
    tpu.enqueue_indirect_dma source(%dma_start3A_21 : memref<8192x256xf32, #tpu.memory_space<hbm>>) target(%dma_start3A_16 : memref<128x256xf32, #tpu.memory_space<vmem>>) offsets(%dma_start3A_18 : memref<128xi32, #tpu.memory_space<vmem>>) semaphore(%arg8 : memref<!tpu.dma_semaphore, #tpu.memory_space<semaphore_mem>>)
    %dma_wait3A = arith.constant 0 : i32
    %dma_wait3A_22 = arith.constant 0 : i32
    %dma_wait3A_23 = arith.constant 0 : i32
    %dma_wait3A_24 = tpu.memref_slice %arg6[%dma_wait3A, %dma_wait3A_22, %dma_wait3A_23] : memref<2x128x256xf32, #tpu.memory_space<vmem>> -> memref<1x128x256xf32, #tpu.memory_space<vmem>>
    %dma_wait3A_25 = tpu.memref_squeeze %dma_wait3A_24 : memref<1x128x256xf32, #tpu.memory_space<vmem>> -> memref<128x256xf32, #tpu.memory_space<vmem>>
    %dma_wait3A_26 = arith.constant 0 : i32
    %dma_wait3A_27 = tpu.memref_slice %arg5[%dma_wait3A_26] : memref<512xi32, #tpu.memory_space<vmem>> -> memref<128xi32, #tpu.memory_space<vmem>>
    %dma_wait3A_28 = arith.constant 0 : i32
    %dma_wait3A_29 = arith.constant 0 : i32
    %dma_wait3A_30 = tpu.memref_slice %arg3[%dma_wait3A_28, %dma_wait3A_29] : memref<8192x256xf32, #tpu.memory_space<hbm>> -> memref<8192x256xf32, #tpu.memory_space<hbm>>
    tpu.wait_indirect_dma semaphore(%arg7 : memref<!tpu.dma_semaphore, #tpu.memory_space<semaphore_mem>>) src(%dma_wait3A_30 : memref<8192x256xf32, #tpu.memory_space<hbm>>) dst(%dma_wait3A_25 : memref<128x256xf32, #tpu.memory_space<vmem>>)
    %add3A_31 = arith.constant 0 : i32
    %add3A_32 = arith.addi %mul3A_2, %add3A_31 : i32
    %run_scoped3A = arith.constant 0 : i32
    "tpu.region"() ({
      %run_scoped3A_92 = tpu.sem_alloc : memref<!tpu.dma_semaphore, #tpu.memory_space<semaphore_mem>>
      %dma_start3A_93 = arith.constant 0 : i32
      %dma_start3A_94 = arith.constant 0 : i32
      %dma_start3A_95 = tpu.memref_slice %arg6[%run_scoped3A, %dma_start3A_93, %dma_start3A_94] : memref<2x128x256xf32, #tpu.memory_space<vmem>> -> memref<1x128x256xf32, #tpu.memory_space<vmem>>
      %dma_start3A_96 = tpu.memref_squeeze %dma_start3A_95 : memref<1x128x256xf32, #tpu.memory_space<vmem>> -> memref<128x256xf32, #tpu.memory_space<vmem>>
      %dma_start3A_97 = arith.constant 0 : i32
      %dma_start3A_98 = tpu.memref_slice %arg4[%add3A_32, %dma_start3A_97] : memref<16384x256xf32, #tpu.memory_space<hbm>> -> memref<128x256xf32, #tpu.memory_space<hbm>>
      %dma_start3A_99 = arith.constant 0 : i32
      %dma_start3A_100 = tpu.memref_slice %arg4[%add3A_32, %dma_start3A_99] : memref<16384x256xf32, #tpu.memory_space<hbm>> -> memref<128x256xf32, #tpu.memory_space<hbm>>
      %dma_start3A_101 = arith.constant 0 : i32
      %dma_start3A_102 = arith.constant 0 : i32
      %dma_start3A_103 = tpu.memref_slice %arg6[%run_scoped3A, %dma_start3A_101, %dma_start3A_102] : memref<2x128x256xf32, #tpu.memory_space<vmem>> -> memref<1x128x256xf32, #tpu.memory_space<vmem>>
      %dma_start3A_104 = tpu.memref_squeeze %dma_start3A_103 : memref<1x128x256xf32, #tpu.memory_space<vmem>> -> memref<128x256xf32, #tpu.memory_space<vmem>>
      tpu.enqueue_dma source(%dma_start3A_104 : memref<128x256xf32, #tpu.memory_space<vmem>>) target(%dma_start3A_100 : memref<128x256xf32, #tpu.memory_space<hbm>>) target_semaphore(%run_scoped3A_92 : memref<!tpu.dma_semaphore, #tpu.memory_space<semaphore_mem>>)
      %dma_wait3A_105 = arith.constant 0 : i32
      %dma_wait3A_106 = arith.constant 0 : i32
      %dma_wait3A_107 = tpu.memref_slice %arg6[%run_scoped3A, %dma_wait3A_105, %dma_wait3A_106] : memref<2x128x256xf32, #tpu.memory_space<vmem>> -> memref<1x128x256xf32, #tpu.memory_space<vmem>>
      %dma_wait3A_108 = tpu.memref_squeeze %dma_wait3A_107 : memref<1x128x256xf32, #tpu.memory_space<vmem>> -> memref<128x256xf32, #tpu.memory_space<vmem>>
      %dma_wait3A_109 = arith.constant 0 : i32
      %dma_wait3A_110 = tpu.memref_slice %arg4[%add3A_32, %dma_wait3A_109] : memref<16384x256xf32, #tpu.memory_space<hbm>> -> memref<128x256xf32, #tpu.memory_space<hbm>>
      %dma_wait3A_111 = arith.constant 0 : i32
      %dma_wait3A_112 = tpu.memref_slice %arg4[%add3A_32, %dma_wait3A_111] : memref<16384x256xf32, #tpu.memory_space<hbm>> -> memref<128x256xf32, #tpu.memory_space<hbm>>
      %dma_wait3A_113 = arith.constant 0 : i32
      %dma_wait3A_114 = arith.constant 0 : i32
      %dma_wait3A_115 = tpu.memref_slice %arg6[%run_scoped3A, %dma_wait3A_113, %dma_wait3A_114] : memref<2x128x256xf32, #tpu.memory_space<vmem>> -> memref<1x128x256xf32, #tpu.memory_space<vmem>>
      %dma_wait3A_116 = tpu.memref_squeeze %dma_wait3A_115 : memref<1x128x256xf32, #tpu.memory_space<vmem>> -> memref<128x256xf32, #tpu.memory_space<vmem>>
      tpu.wait_dma2 semaphore(%run_scoped3A_92 : memref<!tpu.dma_semaphore, #tpu.memory_space<semaphore_mem>>) src(%dma_wait3A_116 : memref<128x256xf32, #tpu.memory_space<vmem>>) dst(%dma_wait3A_112 : memref<128x256xf32, #tpu.memory_space<hbm>>)
      tpu.yield
    }) : () -> ()
    %dma_start3A_33 = arith.constant 0 : i32
    %dma_start3A_34 = arith.constant 0 : i32
    %dma_start3A_35 = arith.constant 0 : i32
    %dma_start3A_36 = tpu.memref_slice %arg6[%dma_start3A_33, %dma_start3A_34, %dma_start3A_35] : memref<2x128x256xf32, #tpu.memory_space<vmem>> -> memref<1x128x256xf32, #tpu.memory_space<vmem>>
    %dma_start3A_37 = tpu.memref_squeeze %dma_start3A_36 : memref<1x128x256xf32, #tpu.memory_space<vmem>> -> memref<128x256xf32, #tpu.memory_space<vmem>>
    %dma_start3A_38 = arith.constant 256 : i32
    %dma_start3A_39 = tpu.memref_slice %arg5[%dma_start3A_38] : memref<512xi32, #tpu.memory_space<vmem>> -> memref<128xi32, #tpu.memory_space<vmem>>
    %dma_start3A_40 = arith.constant 0 : i32
    %dma_start3A_41 = arith.constant 0 : i32
    %dma_start3A_42 = tpu.memref_slice %arg3[%dma_start3A_40, %dma_start3A_41] : memref<8192x256xf32, #tpu.memory_space<hbm>> -> memref<8192x256xf32, #tpu.memory_space<hbm>>
    tpu.enqueue_indirect_dma source(%dma_start3A_42 : memref<8192x256xf32, #tpu.memory_space<hbm>>) target(%dma_start3A_37 : memref<128x256xf32, #tpu.memory_space<vmem>>) offsets(%dma_start3A_39 : memref<128xi32, #tpu.memory_space<vmem>>) semaphore(%arg7 : memref<!tpu.dma_semaphore, #tpu.memory_space<semaphore_mem>>)
    %dma_wait3A_43 = arith.constant 1 : i32
    %dma_wait3A_44 = arith.constant 0 : i32
    %dma_wait3A_45 = arith.constant 0 : i32
    %dma_wait3A_46 = tpu.memref_slice %arg6[%dma_wait3A_43, %dma_wait3A_44, %dma_wait3A_45] : memref<2x128x256xf32, #tpu.memory_space<vmem>> -> memref<1x128x256xf32, #tpu.memory_space<vmem>>
    %dma_wait3A_47 = tpu.memref_squeeze %dma_wait3A_46 : memref<1x128x256xf32, #tpu.memory_space<vmem>> -> memref<128x256xf32, #tpu.memory_space<vmem>>
    %dma_wait3A_48 = arith.constant 128 : i32
    %dma_wait3A_49 = tpu.memref_slice %arg5[%dma_wait3A_48] : memref<512xi32, #tpu.memory_space<vmem>> -> memref<128xi32, #tpu.memory_space<vmem>>
    %dma_wait3A_50 = arith.constant 0 : i32
    %dma_wait3A_51 = arith.constant 0 : i32
    %dma_wait3A_52 = tpu.memref_slice %arg3[%dma_wait3A_50, %dma_wait3A_51] : memref<8192x256xf32, #tpu.memory_space<hbm>> -> memref<8192x256xf32, #tpu.memory_space<hbm>>
    tpu.wait_indirect_dma semaphore(%arg8 : memref<!tpu.dma_semaphore, #tpu.memory_space<semaphore_mem>>) src(%dma_wait3A_52 : memref<8192x256xf32, #tpu.memory_space<hbm>>) dst(%dma_wait3A_47 : memref<128x256xf32, #tpu.memory_space<vmem>>)
    %add3A_53 = arith.constant 128 : i32
    %add3A_54 = arith.addi %mul3A_2, %add3A_53 : i32
    %run_scoped3A_55 = arith.constant 1 : i32
    "tpu.region"() ({
      %run_scoped3A_92 = tpu.sem_alloc : memref<!tpu.dma_semaphore, #tpu.memory_space<semaphore_mem>>
      %dma_start3A_93 = arith.constant 0 : i32
      %dma_start3A_94 = arith.constant 0 : i32
      %dma_start3A_95 = tpu.memref_slice %arg6[%run_scoped3A_55, %dma_start3A_93, %dma_start3A_94] : memref<2x128x256xf32, #tpu.memory_space<vmem>> -> memref<1x128x256xf32, #tpu.memory_space<vmem>>
      %dma_start3A_96 = tpu.memref_squeeze %dma_start3A_95 : memref<1x128x256xf32, #tpu.memory_space<vmem>> -> memref<128x256xf32, #tpu.memory_space<vmem>>
      %dma_start3A_97 = arith.constant 0 : i32
      %dma_start3A_98 = tpu.memref_slice %arg4[%add3A_54, %dma_start3A_97] : memref<16384x256xf32, #tpu.memory_space<hbm>> -> memref<128x256xf32, #tpu.memory_space<hbm>>
      %dma_start3A_99 = arith.constant 0 : i32
      %dma_start3A_100 = tpu.memref_slice %arg4[%add3A_54, %dma_start3A_99] : memref<16384x256xf32, #tpu.memory_space<hbm>> -> memref<128x256xf32, #tpu.memory_space<hbm>>
      %dma_start3A_101 = arith.constant 0 : i32
      %dma_start3A_102 = arith.constant 0 : i32
      %dma_start3A_103 = tpu.memref_slice %arg6[%run_scoped3A_55, %dma_start3A_101, %dma_start3A_102] : memref<2x128x256xf32, #tpu.memory_space<vmem>> -> memref<1x128x256xf32, #tpu.memory_space<vmem>>
      %dma_start3A_104 = tpu.memref_squeeze %dma_start3A_103 : memref<1x128x256xf32, #tpu.memory_space<vmem>> -> memref<128x256xf32, #tpu.memory_space<vmem>>
      tpu.enqueue_dma source(%dma_start3A_104 : memref<128x256xf32, #tpu.memory_space<vmem>>) target(%dma_start3A_100 : memref<128x256xf32, #tpu.memory_space<hbm>>) target_semaphore(%run_scoped3A_92 : memref<!tpu.dma_semaphore, #tpu.memory_space<semaphore_mem>>)
      %dma_wait3A_105 = arith.constant 0 : i32
      %dma_wait3A_106 = arith.constant 0 : i32
      %dma_wait3A_107 = tpu.memref_slice %arg6[%run_scoped3A_55, %dma_wait3A_105, %dma_wait3A_106] : memref<2x128x256xf32, #tpu.memory_space<vmem>> -> memref<1x128x256xf32, #tpu.memory_space<vmem>>
      %dma_wait3A_108 = tpu.memref_squeeze %dma_wait3A_107 : memref<1x128x256xf32, #tpu.memory_space<vmem>> -> memref<128x256xf32, #tpu.memory_space<vmem>>
      %dma_wait3A_109 = arith.constant 0 : i32
      %dma_wait3A_110 = tpu.memref_slice %arg4[%add3A_54, %dma_wait3A_109] : memref<16384x256xf32, #tpu.memory_space<hbm>> -> memref<128x256xf32, #tpu.memory_space<hbm>>
      %dma_wait3A_111 = arith.constant 0 : i32
      %dma_wait3A_112 = tpu.memref_slice %arg4[%add3A_54, %dma_wait3A_111] : memref<16384x256xf32, #tpu.memory_space<hbm>> -> memref<128x256xf32, #tpu.memory_space<hbm>>
      %dma_wait3A_113 = arith.constant 0 : i32
      %dma_wait3A_114 = arith.constant 0 : i32
      %dma_wait3A_115 = tpu.memref_slice %arg6[%run_scoped3A_55, %dma_wait3A_113, %dma_wait3A_114] : memref<2x128x256xf32, #tpu.memory_space<vmem>> -> memref<1x128x256xf32, #tpu.memory_space<vmem>>
      %dma_wait3A_116 = tpu.memref_squeeze %dma_wait3A_115 : memref<1x128x256xf32, #tpu.memory_space<vmem>> -> memref<128x256xf32, #tpu.memory_space<vmem>>
      tpu.wait_dma2 semaphore(%run_scoped3A_92 : memref<!tpu.dma_semaphore, #tpu.memory_space<semaphore_mem>>) src(%dma_wait3A_116 : memref<128x256xf32, #tpu.memory_space<vmem>>) dst(%dma_wait3A_112 : memref<128x256xf32, #tpu.memory_space<hbm>>)
      tpu.yield
    }) : () -> ()
    %dma_start3A_56 = arith.constant 1 : i32
    %dma_start3A_57 = arith.constant 0 : i32
    %dma_start3A_58 = arith.constant 0 : i32
    %dma_start3A_59 = tpu.memref_slice %arg6[%dma_start3A_56, %dma_start3A_57, %dma_start3A_58] : memref<2x128x256xf32, #tpu.memory_space<vmem>> -> memref<1x128x256xf32, #tpu.memory_space<vmem>>
    %dma_start3A_60 = tpu.memref_squeeze %dma_start3A_59 : memref<1x128x256xf32, #tpu.memory_space<vmem>> -> memref<128x256xf32, #tpu.memory_space<vmem>>
    %dma_start3A_61 = arith.constant 384 : i32
    %dma_start3A_62 = tpu.memref_slice %arg5[%dma_start3A_61] : memref<512xi32, #tpu.memory_space<vmem>> -> memref<128xi32, #tpu.memory_space<vmem>>
    %dma_start3A_63 = arith.constant 0 : i32
    %dma_start3A_64 = arith.constant 0 : i32
    %dma_start3A_65 = tpu.memref_slice %arg3[%dma_start3A_63, %dma_start3A_64] : memref<8192x256xf32, #tpu.memory_space<hbm>> -> memref<8192x256xf32, #tpu.memory_space<hbm>>
    tpu.enqueue_indirect_dma source(%dma_start3A_65 : memref<8192x256xf32, #tpu.memory_space<hbm>>) target(%dma_start3A_60 : memref<128x256xf32, #tpu.memory_space<vmem>>) offsets(%dma_start3A_62 : memref<128xi32, #tpu.memory_space<vmem>>) semaphore(%arg8 : memref<!tpu.dma_semaphore, #tpu.memory_space<semaphore_mem>>)
    %dma_wait3A_66 = arith.constant 0 : i32
    %dma_wait3A_67 = arith.constant 0 : i32
    %dma_wait3A_68 = arith.constant 0 : i32
    %dma_wait3A_69 = tpu.memref_slice %arg6[%dma_wait3A_66, %dma_wait3A_67, %dma_wait3A_68] : memref<2x128x256xf32, #tpu.memory_space<vmem>> -> memref<1x128x256xf32, #tpu.memory_space<vmem>>
    %dma_wait3A_70 = tpu.memref_squeeze %dma_wait3A_69 : memref<1x128x256xf32, #tpu.memory_space<vmem>> -> memref<128x256xf32, #tpu.memory_space<vmem>>
    %dma_wait3A_71 = arith.constant 256 : i32
    %dma_wait3A_72 = tpu.memref_slice %arg5[%dma_wait3A_71] : memref<512xi32, #tpu.memory_space<vmem>> -> memref<128xi32, #tpu.memory_space<vmem>>
    %dma_wait3A_73 = arith.constant 0 : i32
    %dma_wait3A_74 = arith.constant 0 : i32
    %dma_wait3A_75 = tpu.memref_slice %arg3[%dma_wait3A_73, %dma_wait3A_74] : memref<8192x256xf32, #tpu.memory_space<hbm>> -> memref<8192x256xf32, #tpu.memory_space<hbm>>
    tpu.wait_indirect_dma semaphore(%arg7 : memref<!tpu.dma_semaphore, #tpu.memory_space<semaphore_mem>>) src(%dma_wait3A_75 : memref<8192x256xf32, #tpu.memory_space<hbm>>) dst(%dma_wait3A_70 : memref<128x256xf32, #tpu.memory_space<vmem>>)
    %add3A_76 = arith.constant 256 : i32
    %add3A_77 = arith.addi %mul3A_2, %add3A_76 : i32
    %run_scoped3A_78 = arith.constant 0 : i32
    "tpu.region"() ({
      %run_scoped3A_92 = tpu.sem_alloc : memref<!tpu.dma_semaphore, #tpu.memory_space<semaphore_mem>>
      %dma_start3A_93 = arith.constant 0 : i32
      %dma_start3A_94 = arith.constant 0 : i32
      %dma_start3A_95 = tpu.memref_slice %arg6[%run_scoped3A_78, %dma_start3A_93, %dma_start3A_94] : memref<2x128x256xf32, #tpu.memory_space<vmem>> -> memref<1x128x256xf32, #tpu.memory_space<vmem>>
      %dma_start3A_96 = tpu.memref_squeeze %dma_start3A_95 : memref<1x128x256xf32, #tpu.memory_space<vmem>> -> memref<128x256xf32, #tpu.memory_space<vmem>>
      %dma_start3A_97 = arith.constant 0 : i32
      %dma_start3A_98 = tpu.memref_slice %arg4[%add3A_77, %dma_start3A_97] : memref<16384x256xf32, #tpu.memory_space<hbm>> -> memref<128x256xf32, #tpu.memory_space<hbm>>
      %dma_start3A_99 = arith.constant 0 : i32
      %dma_start3A_100 = tpu.memref_slice %arg4[%add3A_77, %dma_start3A_99] : memref<16384x256xf32, #tpu.memory_space<hbm>> -> memref<128x256xf32, #tpu.memory_space<hbm>>
      %dma_start3A_101 = arith.constant 0 : i32
      %dma_start3A_102 = arith.constant 0 : i32
      %dma_start3A_103 = tpu.memref_slice %arg6[%run_scoped3A_78, %dma_start3A_101, %dma_start3A_102] : memref<2x128x256xf32, #tpu.memory_space<vmem>> -> memref<1x128x256xf32, #tpu.memory_space<vmem>>
      %dma_start3A_104 = tpu.memref_squeeze %dma_start3A_103 : memref<1x128x256xf32, #tpu.memory_space<vmem>> -> memref<128x256xf32, #tpu.memory_space<vmem>>
      tpu.enqueue_dma source(%dma_start3A_104 : memref<128x256xf32, #tpu.memory_space<vmem>>) target(%dma_start3A_100 : memref<128x256xf32, #tpu.memory_space<hbm>>) target_semaphore(%run_scoped3A_92 : memref<!tpu.dma_semaphore, #tpu.memory_space<semaphore_mem>>)
      %dma_wait3A_105 = arith.constant 0 : i32
      %dma_wait3A_106 = arith.constant 0 : i32
      %dma_wait3A_107 = tpu.memref_slice %arg6[%run_scoped3A_78, %dma_wait3A_105, %dma_wait3A_106] : memref<2x128x256xf32, #tpu.memory_space<vmem>> -> memref<1x128x256xf32, #tpu.memory_space<vmem>>
      %dma_wait3A_108 = tpu.memref_squeeze %dma_wait3A_107 : memref<1x128x256xf32, #tpu.memory_space<vmem>> -> memref<128x256xf32, #tpu.memory_space<vmem>>
      %dma_wait3A_109 = arith.constant 0 : i32
      %dma_wait3A_110 = tpu.memref_slice %arg4[%add3A_77, %dma_wait3A_109] : memref<16384x256xf32, #tpu.memory_space<hbm>> -> memref<128x256xf32, #tpu.memory_space<hbm>>
      %dma_wait3A_111 = arith.constant 0 : i32
      %dma_wait3A_112 = tpu.memref_slice %arg4[%add3A_77, %dma_wait3A_111] : memref<16384x256xf32, #tpu.memory_space<hbm>> -> memref<128x256xf32, #tpu.memory_space<hbm>>
      %dma_wait3A_113 = arith.constant 0 : i32
      %dma_wait3A_114 = arith.constant 0 : i32
      %dma_wait3A_115 = tpu.memref_slice %arg6[%run_scoped3A_78, %dma_wait3A_113, %dma_wait3A_114] : memref<2x128x256xf32, #tpu.memory_space<vmem>> -> memref<1x128x256xf32, #tpu.memory_space<vmem>>
      %dma_wait3A_116 = tpu.memref_squeeze %dma_wait3A_115 : memref<1x128x256xf32, #tpu.memory_space<vmem>> -> memref<128x256xf32, #tpu.memory_space<vmem>>
      tpu.wait_dma2 semaphore(%run_scoped3A_92 : memref<!tpu.dma_semaphore, #tpu.memory_space<semaphore_mem>>) src(%dma_wait3A_116 : memref<128x256xf32, #tpu.memory_space<vmem>>) dst(%dma_wait3A_112 : memref<128x256xf32, #tpu.memory_space<hbm>>)
      tpu.yield
    }) : () -> ()
    %dma_wait3A_79 = arith.constant 1 : i32
    %dma_wait3A_80 = arith.constant 0 : i32
    %dma_wait3A_81 = arith.constant 0 : i32
    %dma_wait3A_82 = tpu.memref_slice %arg6[%dma_wait3A_79, %dma_wait3A_80, %dma_wait3A_81] : memref<2x128x256xf32, #tpu.memory_space<vmem>> -> memref<1x128x256xf32, #tpu.memory_space<vmem>>
    %dma_wait3A_83 = tpu.memref_squeeze %dma_wait3A_82 : memref<1x128x256xf32, #tpu.memory_space<vmem>> -> memref<128x256xf32, #tpu.memory_space<vmem>>
    %dma_wait3A_84 = arith.constant 384 : i32
    %dma_wait3A_85 = tpu.memref_slice %arg5[%dma_wait3A_84] : memref<512xi32, #tpu.memory_space<vmem>> -> memref<128xi32, #tpu.memory_space<vmem>>
    %dma_wait3A_86 = arith.constant 0 : i32
    %dma_wait3A_87 = arith.constant 0 : i32
    %dma_wait3A_88 = tpu.memref_slice %arg3[%dma_wait3A_86, %dma_wait3A_87] : memref<8192x256xf32, #tpu.memory_space<hbm>> -> memref<8192x256xf32, #tpu.memory_space<hbm>>
    tpu.wait_indirect_dma semaphore(%arg8 : memref<!tpu.dma_semaphore, #tpu.memory_space<semaphore_mem>>) src(%dma_wait3A_88 : memref<8192x256xf32, #tpu.memory_space<hbm>>) dst(%dma_wait3A_83 : memref<128x256xf32, #tpu.memory_space<vmem>>)
    %add3A_89 = arith.constant 384 : i32
    %add3A_90 = arith.addi %mul3A_2, %add3A_89 : i32
    %run_scoped3A_91 = arith.constant 1 : i32
    "tpu.region"() ({
      %run_scoped3A_92 = tpu.sem_alloc : memref<!tpu.dma_semaphore, #tpu.memory_space<semaphore_mem>>
      %dma_start3A_93 = arith.constant 0 : i32
      %dma_start3A_94 = arith.constant 0 : i32
      %dma_start3A_95 = tpu.memref_slice %arg6[%run_scoped3A_91, %dma_start3A_93, %dma_start3A_94] : memref<2x128x256xf32, #tpu.memory_space<vmem>> -> memref<1x128x256xf32, #tpu.memory_space<vmem>>
      %dma_start3A_96 = tpu.memref_squeeze %dma_start3A_95 : memref<1x128x256xf32, #tpu.memory_space<vmem>> -> memref<128x256xf32, #tpu.memory_space<vmem>>
      %dma_start3A_97 = arith.constant 0 : i32
      %dma_start3A_98 = tpu.memref_slice %arg4[%add3A_90, %dma_start3A_97] : memref<16384x256xf32, #tpu.memory_space<hbm>> -> memref<128x256xf32, #tpu.memory_space<hbm>>
      %dma_start3A_99 = arith.constant 0 : i32
      %dma_start3A_100 = tpu.memref_slice %arg4[%add3A_90, %dma_start3A_99] : memref<16384x256xf32, #tpu.memory_space<hbm>> -> memref<128x256xf32, #tpu.memory_space<hbm>>
      %dma_start3A_101 = arith.constant 0 : i32
      %dma_start3A_102 = arith.constant 0 : i32
      %dma_start3A_103 = tpu.memref_slice %arg6[%run_scoped3A_91, %dma_start3A_101, %dma_start3A_102] : memref<2x128x256xf32, #tpu.memory_space<vmem>> -> memref<1x128x256xf32, #tpu.memory_space<vmem>>
      %dma_start3A_104 = tpu.memref_squeeze %dma_start3A_103 : memref<1x128x256xf32, #tpu.memory_space<vmem>> -> memref<128x256xf32, #tpu.memory_space<vmem>>
      tpu.enqueue_dma source(%dma_start3A_104 : memref<128x256xf32, #tpu.memory_space<vmem>>) target(%dma_start3A_100 : memref<128x256xf32, #tpu.memory_space<hbm>>) target_semaphore(%run_scoped3A_92 : memref<!tpu.dma_semaphore, #tpu.memory_space<semaphore_mem>>)
      %dma_wait3A_105 = arith.constant 0 : i32
      %dma_wait3A_106 = arith.constant 0 : i32
      %dma_wait3A_107 = tpu.memref_slice %arg6[%run_scoped3A_91, %dma_wait3A_105, %dma_wait3A_106] : memref<2x128x256xf32, #tpu.memory_space<vmem>> -> memref<1x128x256xf32, #tpu.memory_space<vmem>>
      %dma_wait3A_108 = tpu.memref_squeeze %dma_wait3A_107 : memref<1x128x256xf32, #tpu.memory_space<vmem>> -> memref<128x256xf32, #tpu.memory_space<vmem>>
      %dma_wait3A_109 = arith.constant 0 : i32
      %dma_wait3A_110 = tpu.memref_slice %arg4[%add3A_90, %dma_wait3A_109] : memref<16384x256xf32, #tpu.memory_space<hbm>> -> memref<128x256xf32, #tpu.memory_space<hbm>>
      %dma_wait3A_111 = arith.constant 0 : i32
      %dma_wait3A_112 = tpu.memref_slice %arg4[%add3A_90, %dma_wait3A_111] : memref<16384x256xf32, #tpu.memory_space<hbm>> -> memref<128x256xf32, #tpu.memory_space<hbm>>
      %dma_wait3A_113 = arith.constant 0 : i32
      %dma_wait3A_114 = arith.constant 0 : i32
      %dma_wait3A_115 = tpu.memref_slice %arg6[%run_scoped3A_91, %dma_wait3A_113, %dma_wait3A_114] : memref<2x128x256xf32, #tpu.memory_space<vmem>> -> memref<1x128x256xf32, #tpu.memory_space<vmem>>
      %dma_wait3A_116 = tpu.memref_squeeze %dma_wait3A_115 : memref<1x128x256xf32, #tpu.memory_space<vmem>> -> memref<128x256xf32, #tpu.memory_space<vmem>>
      tpu.wait_dma2 semaphore(%run_scoped3A_92 : memref<!tpu.dma_semaphore, #tpu.memory_space<semaphore_mem>>) src(%dma_wait3A_116 : memref<128x256xf32, #tpu.memory_space<vmem>>) dst(%dma_wait3A_112 : memref<128x256xf32, #tpu.memory_space<hbm>>)
      tpu.yield
    }) : () -> ()
    return
  }
}

module attributes {stable_mosaic.version = 14 : i64} {
  func.func @_argmin_body(%arg0: i32, %arg1: memref<512x1xf32, #tpu.memory_space<vmem>>, %arg2: memref<1x8448xf32, #tpu.memory_space<vmem>>, %arg3: memref<512x256xf32, #tpu.memory_space<vmem>>, %arg4: memref<8448x256xbf16, #tpu.memory_space<vmem>>, %arg5: memref<512x1xi32, #tpu.memory_space<vmem>>) attributes {dimension_semantics = [#tpu.dimension_semantics<arbitrary>], iteration_bounds = array<i64: 32>, scalar_prefetch = 0 : i64, scratch_operands = 0 : i64, tpu.core_type = #tpu.core_type<tc>, window_params = [{transform_indices = @transform_0, window_bounds = array<i64: 512, 1>}, {pipeline_mode = #tpu.pipeline_mode<synchronous>, transform_indices = @transform_1, window_bounds = array<i64: 1, 8448>}, {transform_indices = @transform_2, window_bounds = array<i64: 512, 256>}, {pipeline_mode = #tpu.pipeline_mode<synchronous>, transform_indices = @transform_3, window_bounds = array<i64: 8448, 256>}, {transform_indices = @transform_4, window_bounds = array<i64: 512, 1>}]} {
    %get3A = arith.constant 0 : index
    %get3A_0 = arith.constant 0 : index
    %get3A_1 = vector.load %arg3[%get3A, %get3A_0] : memref<512x256xf32, #tpu.memory_space<vmem>>, vector<512x256xf32>
    %mul3A = arith.constant 2.000000e+00 : f32
    %mul3A_2 = vector.broadcast %mul3A : f32 to vector<512x256xf32>
    %mul3A_3 = arith.mulf %get3A_1, %mul3A_2 : vector<512x256xf32>
    %convert_element_type3A = arith.truncf %mul3A_3 : vector<512x256xf32> to vector<512x256xbf16>
    %get3A_4 = arith.constant 0 : index
    %get3A_5 = arith.constant 0 : index
    %get3A_6 = vector.load %arg1[%get3A_4, %get3A_5] : memref<512x1xf32, #tpu.memory_space<vmem>>, vector<512x1xf32>
    %iota3A = tpu.iota {dimensions = array<i32: 1>} : vector<512x128xi32>
    %convert_element_type3A_7 = arith.sitofp %iota3A : vector<512x128xi32> to vector<512x128xf32>
    %get3A_8 = arith.constant 0 : index
    %get3A_9 = arith.constant 0 : index
    %get3A_10 = vector.load %arg4[%get3A_8, %get3A_9] : memref<8448x256xbf16, #tpu.memory_space<vmem>>, vector<2816x256xbf16>
    %dot_general3A = arith.constant dense<0.000000e+00> : vector<512x2816xf32>
    %dot_general3A_11 = tpu.matmul %convert_element_type3A, %get3A_10, %dot_general3A {dimension_numbers = #tpu.dot_dimension_numbers<[1], [1], [0], [0], [0, 0, 1, 0], [], []>, transpose_lhs_hint = false} : vector<512x256xbf16>, vector<2816x256xbf16>, vector<512x2816xf32> -> vector<512x2816xf32>
    %get3A_12 = arith.constant 0 : index
    %get3A_13 = arith.constant 0 : index
    %get3A_14 = vector.load %arg2[%get3A_12, %get3A_13] : memref<1x8448xf32, #tpu.memory_space<vmem>>, vector<1x128xf32>
    %slice3A = vector.extract_strided_slice %dot_general3A_11 {offsets = [0, 0], sizes = [512, 128], strides = [1, 1]} : vector<512x2816xf32> to vector<512x128xf32>
    %sub3A = vector.broadcast %get3A_6 : vector<512x1xf32> to vector<512x128xf32>
    %sub3A_15 = arith.subf %sub3A, %slice3A : vector<512x128xf32>
    %add3A = vector.broadcast %get3A_14 : vector<1x128xf32> to vector<512x128xf32>
    %add3A_16 = arith.addf %sub3A_15, %add3A : vector<512x128xf32>
    %add3A_17 = arith.constant 0.000000e+00 : f32
    %add3A_18 = vector.broadcast %add3A_17 : f32 to vector<512x128xf32>
    %add3A_19 = arith.addf %convert_element_type3A_7, %add3A_18 : vector<512x128xf32>
    %get3A_20 = arith.constant 0 : index
    %get3A_21 = arith.constant 128 : index
    %get3A_22 = vector.load %arg2[%get3A_20, %get3A_21] : memref<1x8448xf32, #tpu.memory_space<vmem>>, vector<1x128xf32>
    %slice3A_23 = vector.extract_strided_slice %dot_general3A_11 {offsets = [0, 128], sizes = [512, 128], strides = [1, 1]} : vector<512x2816xf32> to vector<512x128xf32>
    %sub3A_24 = vector.broadcast %get3A_6 : vector<512x1xf32> to vector<512x128xf32>
    %sub3A_25 = arith.subf %sub3A_24, %slice3A_23 : vector<512x128xf32>
    %add3A_26 = vector.broadcast %get3A_22 : vector<1x128xf32> to vector<512x128xf32>
    %add3A_27 = arith.addf %sub3A_25, %add3A_26 : vector<512x128xf32>
    %add3A_28 = arith.constant 1.280000e+02 : f32
    %add3A_29 = vector.broadcast %add3A_28 : f32 to vector<512x128xf32>
    %add3A_30 = arith.addf %convert_element_type3A_7, %add3A_29 : vector<512x128xf32>
    %lt3A = arith.cmpf olt, %add3A_27, %add3A_16 : vector<512x128xf32>
    %min3A = arith.minimumf %add3A_16, %add3A_27 : vector<512x128xf32>
    %select_n3A = arith.select %lt3A, %add3A_30, %add3A_19 : vector<512x128xi1>, vector<512x128xf32>
    %get3A_31 = arith.constant 0 : index
    %get3A_32 = arith.constant 256 : index
    %get3A_33 = vector.load %arg2[%get3A_31, %get3A_32] : memref<1x8448xf32, #tpu.memory_space<vmem>>, vector<1x128xf32>
    %slice3A_34 = vector.extract_strided_slice %dot_general3A_11 {offsets = [0, 256], sizes = [512, 128], strides = [1, 1]} : vector<512x2816xf32> to vector<512x128xf32>
    %sub3A_35 = vector.broadcast %get3A_6 : vector<512x1xf32> to vector<512x128xf32>
    %sub3A_36 = arith.subf %sub3A_35, %slice3A_34 : vector<512x128xf32>
    %add3A_37 = vector.broadcast %get3A_33 : vector<1x128xf32> to vector<512x128xf32>
    %add3A_38 = arith.addf %sub3A_36, %add3A_37 : vector<512x128xf32>
    %add3A_39 = arith.constant 2.560000e+02 : f32
    %add3A_40 = vector.broadcast %add3A_39 : f32 to vector<512x128xf32>
    %add3A_41 = arith.addf %convert_element_type3A_7, %add3A_40 : vector<512x128xf32>
    %lt3A_42 = arith.cmpf olt, %add3A_38, %min3A : vector<512x128xf32>
    %min3A_43 = arith.minimumf %min3A, %add3A_38 : vector<512x128xf32>
    %select_n3A_44 = arith.select %lt3A_42, %add3A_41, %select_n3A : vector<512x128xi1>, vector<512x128xf32>
    %get3A_45 = arith.constant 0 : index
    %get3A_46 = arith.constant 384 : index
    %get3A_47 = vector.load %arg2[%get3A_45, %get3A_46] : memref<1x8448xf32, #tpu.memory_space<vmem>>, vector<1x128xf32>
    %slice3A_48 = vector.extract_strided_slice %dot_general3A_11 {offsets = [0, 384], sizes = [512, 128], strides = [1, 1]} : vector<512x2816xf32> to vector<512x128xf32>
    %sub3A_49 = vector.broadcast %get3A_6 : vector<512x1xf32> to vector<512x128xf32>
    %sub3A_50 = arith.subf %sub3A_49, %slice3A_48 : vector<512x128xf32>
    %add3A_51 = vector.broadcast %get3A_47 : vector<1x128xf32> to vector<512x128xf32>
    %add3A_52 = arith.addf %sub3A_50, %add3A_51 : vector<512x128xf32>
    %add3A_53 = arith.constant 3.840000e+02 : f32
    %add3A_54 = vector.broadcast %add3A_53 : f32 to vector<512x128xf32>
    %add3A_55 = arith.addf %convert_element_type3A_7, %add3A_54 : vector<512x128xf32>
    %lt3A_56 = arith.cmpf olt, %add3A_52, %min3A_43 : vector<512x128xf32>
    %min3A_57 = arith.minimumf %min3A_43, %add3A_52 : vector<512x128xf32>
    %select_n3A_58 = arith.select %lt3A_56, %add3A_55, %select_n3A_44 : vector<512x128xi1>, vector<512x128xf32>
    %get3A_59 = arith.constant 0 : index
    %get3A_60 = arith.constant 512 : index
    %get3A_61 = vector.load %arg2[%get3A_59, %get3A_60] : memref<1x8448xf32, #tpu.memory_space<vmem>>, vector<1x128xf32>
    %slice3A_62 = vector.extract_strided_slice %dot_general3A_11 {offsets = [0, 512], sizes = [512, 128], strides = [1, 1]} : vector<512x2816xf32> to vector<512x128xf32>
    %sub3A_63 = vector.broadcast %get3A_6 : vector<512x1xf32> to vector<512x128xf32>
    %sub3A_64 = arith.subf %sub3A_63, %slice3A_62 : vector<512x128xf32>
    %add3A_65 = vector.broadcast %get3A_61 : vector<1x128xf32> to vector<512x128xf32>
    %add3A_66 = arith.addf %sub3A_64, %add3A_65 : vector<512x128xf32>
    %add3A_67 = arith.constant 5.120000e+02 : f32
    %add3A_68 = vector.broadcast %add3A_67 : f32 to vector<512x128xf32>
    %add3A_69 = arith.addf %convert_element_type3A_7, %add3A_68 : vector<512x128xf32>
    %lt3A_70 = arith.cmpf olt, %add3A_66, %min3A_57 : vector<512x128xf32>
    %min3A_71 = arith.minimumf %min3A_57, %add3A_66 : vector<512x128xf32>
    %select_n3A_72 = arith.select %lt3A_70, %add3A_69, %select_n3A_58 : vector<512x128xi1>, vector<512x128xf32>
    %get3A_73 = arith.constant 0 : index
    %get3A_74 = arith.constant 640 : index
    %get3A_75 = vector.load %arg2[%get3A_73, %get3A_74] : memref<1x8448xf32, #tpu.memory_space<vmem>>, vector<1x128xf32>
    %slice3A_76 = vector.extract_strided_slice %dot_general3A_11 {offsets = [0, 640], sizes = [512, 128], strides = [1, 1]} : vector<512x2816xf32> to vector<512x128xf32>
    %sub3A_77 = vector.broadcast %get3A_6 : vector<512x1xf32> to vector<512x128xf32>
    %sub3A_78 = arith.subf %sub3A_77, %slice3A_76 : vector<512x128xf32>
    %add3A_79 = vector.broadcast %get3A_75 : vector<1x128xf32> to vector<512x128xf32>
    %add3A_80 = arith.addf %sub3A_78, %add3A_79 : vector<512x128xf32>
    %add3A_81 = arith.constant 6.400000e+02 : f32
    %add3A_82 = vector.broadcast %add3A_81 : f32 to vector<512x128xf32>
    %add3A_83 = arith.addf %convert_element_type3A_7, %add3A_82 : vector<512x128xf32>
    %lt3A_84 = arith.cmpf olt, %add3A_80, %min3A_71 : vector<512x128xf32>
    %min3A_85 = arith.minimumf %min3A_71, %add3A_80 : vector<512x128xf32>
    %select_n3A_86 = arith.select %lt3A_84, %add3A_83, %select_n3A_72 : vector<512x128xi1>, vector<512x128xf32>
    %get3A_87 = arith.constant 0 : index
    %get3A_88 = arith.constant 768 : index
    %get3A_89 = vector.load %arg2[%get3A_87, %get3A_88] : memref<1x8448xf32, #tpu.memory_space<vmem>>, vector<1x128xf32>
    %slice3A_90 = vector.extract_strided_slice %dot_general3A_11 {offsets = [0, 768], sizes = [512, 128], strides = [1, 1]} : vector<512x2816xf32> to vector<512x128xf32>
    %sub3A_91 = vector.broadcast %get3A_6 : vector<512x1xf32> to vector<512x128xf32>
    %sub3A_92 = arith.subf %sub3A_91, %slice3A_90 : vector<512x128xf32>
    %add3A_93 = vector.broadcast %get3A_89 : vector<1x128xf32> to vector<512x128xf32>
    %add3A_94 = arith.addf %sub3A_92, %add3A_93 : vector<512x128xf32>
    %add3A_95 = arith.constant 7.680000e+02 : f32
    %add3A_96 = vector.broadcast %add3A_95 : f32 to vector<512x128xf32>
    %add3A_97 = arith.addf %convert_element_type3A_7, %add3A_96 : vector<512x128xf32>
    %lt3A_98 = arith.cmpf olt, %add3A_94, %min3A_85 : vector<512x128xf32>
    %min3A_99 = arith.minimumf %min3A_85, %add3A_94 : vector<512x128xf32>
    %select_n3A_100 = arith.select %lt3A_98, %add3A_97, %select_n3A_86 : vector<512x128xi1>, vector<512x128xf32>
    %get3A_101 = arith.constant 0 : index
    %get3A_102 = arith.constant 896 : index
    %get3A_103 = vector.load %arg2[%get3A_101, %get3A_102] : memref<1x8448xf32, #tpu.memory_space<vmem>>, vector<1x128xf32>
    %slice3A_104 = vector.extract_strided_slice %dot_general3A_11 {offsets = [0, 896], sizes = [512, 128], strides = [1, 1]} : vector<512x2816xf32> to vector<512x128xf32>
    %sub3A_105 = vector.broadcast %get3A_6 : vector<512x1xf32> to vector<512x128xf32>
    %sub3A_106 = arith.subf %sub3A_105, %slice3A_104 : vector<512x128xf32>
    %add3A_107 = vector.broadcast %get3A_103 : vector<1x128xf32> to vector<512x128xf32>
    %add3A_108 = arith.addf %sub3A_106, %add3A_107 : vector<512x128xf32>
    %add3A_109 = arith.constant 8.960000e+02 : f32
    %add3A_110 = vector.broadcast %add3A_109 : f32 to vector<512x128xf32>
    %add3A_111 = arith.addf %convert_element_type3A_7, %add3A_110 : vector<512x128xf32>
    %lt3A_112 = arith.cmpf olt, %add3A_108, %min3A_99 : vector<512x128xf32>
    %min3A_113 = arith.minimumf %min3A_99, %add3A_108 : vector<512x128xf32>
    %select_n3A_114 = arith.select %lt3A_112, %add3A_111, %select_n3A_100 : vector<512x128xi1>, vector<512x128xf32>
    %get3A_115 = arith.constant 0 : index
    %get3A_116 = arith.constant 1024 : index
    %get3A_117 = vector.load %arg2[%get3A_115, %get3A_116] : memref<1x8448xf32, #tpu.memory_space<vmem>>, vector<1x128xf32>
    %slice3A_118 = vector.extract_strided_slice %dot_general3A_11 {offsets = [0, 1024], sizes = [512, 128], strides = [1, 1]} : vector<512x2816xf32> to vector<512x128xf32>
    %sub3A_119 = vector.broadcast %get3A_6 : vector<512x1xf32> to vector<512x128xf32>
    %sub3A_120 = arith.subf %sub3A_119, %slice3A_118 : vector<512x128xf32>
    %add3A_121 = vector.broadcast %get3A_117 : vector<1x128xf32> to vector<512x128xf32>
    %add3A_122 = arith.addf %sub3A_120, %add3A_121 : vector<512x128xf32>
    %add3A_123 = arith.constant 1.024000e+03 : f32
    %add3A_124 = vector.broadcast %add3A_123 : f32 to vector<512x128xf32>
    %add3A_125 = arith.addf %convert_element_type3A_7, %add3A_124 : vector<512x128xf32>
    %lt3A_126 = arith.cmpf olt, %add3A_122, %min3A_113 : vector<512x128xf32>
    %min3A_127 = arith.minimumf %min3A_113, %add3A_122 : vector<512x128xf32>
    %select_n3A_128 = arith.select %lt3A_126, %add3A_125, %select_n3A_114 : vector<512x128xi1>, vector<512x128xf32>
    %get3A_129 = arith.constant 0 : index
    %get3A_130 = arith.constant 1152 : index
    %get3A_131 = vector.load %arg2[%get3A_129, %get3A_130] : memref<1x8448xf32, #tpu.memory_space<vmem>>, vector<1x128xf32>
    %slice3A_132 = vector.extract_strided_slice %dot_general3A_11 {offsets = [0, 1152], sizes = [512, 128], strides = [1, 1]} : vector<512x2816xf32> to vector<512x128xf32>
    %sub3A_133 = vector.broadcast %get3A_6 : vector<512x1xf32> to vector<512x128xf32>
    %sub3A_134 = arith.subf %sub3A_133, %slice3A_132 : vector<512x128xf32>
    %add3A_135 = vector.broadcast %get3A_131 : vector<1x128xf32> to vector<512x128xf32>
    %add3A_136 = arith.addf %sub3A_134, %add3A_135 : vector<512x128xf32>
    %add3A_137 = arith.constant 1.152000e+03 : f32
    %add3A_138 = vector.broadcast %add3A_137 : f32 to vector<512x128xf32>
    %add3A_139 = arith.addf %convert_element_type3A_7, %add3A_138 : vector<512x128xf32>
    %lt3A_140 = arith.cmpf olt, %add3A_136, %min3A_127 : vector<512x128xf32>
    %min3A_141 = arith.minimumf %min3A_127, %add3A_136 : vector<512x128xf32>
    %select_n3A_142 = arith.select %lt3A_140, %add3A_139, %select_n3A_128 : vector<512x128xi1>, vector<512x128xf32>
    %get3A_143 = arith.constant 0 : index
    %get3A_144 = arith.constant 1280 : index
    %get3A_145 = vector.load %arg2[%get3A_143, %get3A_144] : memref<1x8448xf32, #tpu.memory_space<vmem>>, vector<1x128xf32>
    %slice3A_146 = vector.extract_strided_slice %dot_general3A_11 {offsets = [0, 1280], sizes = [512, 128], strides = [1, 1]} : vector<512x2816xf32> to vector<512x128xf32>
    %sub3A_147 = vector.broadcast %get3A_6 : vector<512x1xf32> to vector<512x128xf32>
    %sub3A_148 = arith.subf %sub3A_147, %slice3A_146 : vector<512x128xf32>
    %add3A_149 = vector.broadcast %get3A_145 : vector<1x128xf32> to vector<512x128xf32>
    %add3A_150 = arith.addf %sub3A_148, %add3A_149 : vector<512x128xf32>
    %add3A_151 = arith.constant 1.280000e+03 : f32
    %add3A_152 = vector.broadcast %add3A_151 : f32 to vector<512x128xf32>
    %add3A_153 = arith.addf %convert_element_type3A_7, %add3A_152 : vector<512x128xf32>
    %lt3A_154 = arith.cmpf olt, %add3A_150, %min3A_141 : vector<512x128xf32>
    %min3A_155 = arith.minimumf %min3A_141, %add3A_150 : vector<512x128xf32>
    %select_n3A_156 = arith.select %lt3A_154, %add3A_153, %select_n3A_142 : vector<512x128xi1>, vector<512x128xf32>
    %get3A_157 = arith.constant 0 : index
    %get3A_158 = arith.constant 1408 : index
    %get3A_159 = vector.load %arg2[%get3A_157, %get3A_158] : memref<1x8448xf32, #tpu.memory_space<vmem>>, vector<1x128xf32>
    %slice3A_160 = vector.extract_strided_slice %dot_general3A_11 {offsets = [0, 1408], sizes = [512, 128], strides = [1, 1]} : vector<512x2816xf32> to vector<512x128xf32>
    %sub3A_161 = vector.broadcast %get3A_6 : vector<512x1xf32> to vector<512x128xf32>
    %sub3A_162 = arith.subf %sub3A_161, %slice3A_160 : vector<512x128xf32>
    %add3A_163 = vector.broadcast %get3A_159 : vector<1x128xf32> to vector<512x128xf32>
    %add3A_164 = arith.addf %sub3A_162, %add3A_163 : vector<512x128xf32>
    %add3A_165 = arith.constant 1.408000e+03 : f32
    %add3A_166 = vector.broadcast %add3A_165 : f32 to vector<512x128xf32>
    %add3A_167 = arith.addf %convert_element_type3A_7, %add3A_166 : vector<512x128xf32>
    %lt3A_168 = arith.cmpf olt, %add3A_164, %min3A_155 : vector<512x128xf32>
    %min3A_169 = arith.minimumf %min3A_155, %add3A_164 : vector<512x128xf32>
    %select_n3A_170 = arith.select %lt3A_168, %add3A_167, %select_n3A_156 : vector<512x128xi1>, vector<512x128xf32>
    %get3A_171 = arith.constant 0 : index
    %get3A_172 = arith.constant 1536 : index
    %get3A_173 = vector.load %arg2[%get3A_171, %get3A_172] : memref<1x8448xf32, #tpu.memory_space<vmem>>, vector<1x128xf32>
    %slice3A_174 = vector.extract_strided_slice %dot_general3A_11 {offsets = [0, 1536], sizes = [512, 128], strides = [1, 1]} : vector<512x2816xf32> to vector<512x128xf32>
    %sub3A_175 = vector.broadcast %get3A_6 : vector<512x1xf32> to vector<512x128xf32>
    %sub3A_176 = arith.subf %sub3A_175, %slice3A_174 : vector<512x128xf32>
    %add3A_177 = vector.broadcast %get3A_173 : vector<1x128xf32> to vector<512x128xf32>
    %add3A_178 = arith.addf %sub3A_176, %add3A_177 : vector<512x128xf32>
    %add3A_179 = arith.constant 1.536000e+03 : f32
    %add3A_180 = vector.broadcast %add3A_179 : f32 to vector<512x128xf32>
    %add3A_181 = arith.addf %convert_element_type3A_7, %add3A_180 : vector<512x128xf32>
    %lt3A_182 = arith.cmpf olt, %add3A_178, %min3A_169 : vector<512x128xf32>
    %min3A_183 = arith.minimumf %min3A_169, %add3A_178 : vector<512x128xf32>
    %select_n3A_184 = arith.select %lt3A_182, %add3A_181, %select_n3A_170 : vector<512x128xi1>, vector<512x128xf32>
    %get3A_185 = arith.constant 0 : index
    %get3A_186 = arith.constant 1664 : index
    %get3A_187 = vector.load %arg2[%get3A_185, %get3A_186] : memref<1x8448xf32, #tpu.memory_space<vmem>>, vector<1x128xf32>
    %slice3A_188 = vector.extract_strided_slice %dot_general3A_11 {offsets = [0, 1664], sizes = [512, 128], strides = [1, 1]} : vector<512x2816xf32> to vector<512x128xf32>
    %sub3A_189 = vector.broadcast %get3A_6 : vector<512x1xf32> to vector<512x128xf32>
    %sub3A_190 = arith.subf %sub3A_189, %slice3A_188 : vector<512x128xf32>
    %add3A_191 = vector.broadcast %get3A_187 : vector<1x128xf32> to vector<512x128xf32>
    %add3A_192 = arith.addf %sub3A_190, %add3A_191 : vector<512x128xf32>
    %add3A_193 = arith.constant 1.664000e+03 : f32
    %add3A_194 = vector.broadcast %add3A_193 : f32 to vector<512x128xf32>
    %add3A_195 = arith.addf %convert_element_type3A_7, %add3A_194 : vector<512x128xf32>
    %lt3A_196 = arith.cmpf olt, %add3A_192, %min3A_183 : vector<512x128xf32>
    %min3A_197 = arith.minimumf %min3A_183, %add3A_192 : vector<512x128xf32>
    %select_n3A_198 = arith.select %lt3A_196, %add3A_195, %select_n3A_184 : vector<512x128xi1>, vector<512x128xf32>
    %get3A_199 = arith.constant 0 : index
    %get3A_200 = arith.constant 1792 : index
    %get3A_201 = vector.load %arg2[%get3A_199, %get3A_200] : memref<1x8448xf32, #tpu.memory_space<vmem>>, vector<1x128xf32>
    %slice3A_202 = vector.extract_strided_slice %dot_general3A_11 {offsets = [0, 1792], sizes = [512, 128], strides = [1, 1]} : vector<512x2816xf32> to vector<512x128xf32>
    %sub3A_203 = vector.broadcast %get3A_6 : vector<512x1xf32> to vector<512x128xf32>
    %sub3A_204 = arith.subf %sub3A_203, %slice3A_202 : vector<512x128xf32>
    %add3A_205 = vector.broadcast %get3A_201 : vector<1x128xf32> to vector<512x128xf32>
    %add3A_206 = arith.addf %sub3A_204, %add3A_205 : vector<512x128xf32>
    %add3A_207 = arith.constant 1.792000e+03 : f32
    %add3A_208 = vector.broadcast %add3A_207 : f32 to vector<512x128xf32>
    %add3A_209 = arith.addf %convert_element_type3A_7, %add3A_208 : vector<512x128xf32>
    %lt3A_210 = arith.cmpf olt, %add3A_206, %min3A_197 : vector<512x128xf32>
    %min3A_211 = arith.minimumf %min3A_197, %add3A_206 : vector<512x128xf32>
    %select_n3A_212 = arith.select %lt3A_210, %add3A_209, %select_n3A_198 : vector<512x128xi1>, vector<512x128xf32>
    %get3A_213 = arith.constant 0 : index
    %get3A_214 = arith.constant 1920 : index
    %get3A_215 = vector.load %arg2[%get3A_213, %get3A_214] : memref<1x8448xf32, #tpu.memory_space<vmem>>, vector<1x128xf32>
    %slice3A_216 = vector.extract_strided_slice %dot_general3A_11 {offsets = [0, 1920], sizes = [512, 128], strides = [1, 1]} : vector<512x2816xf32> to vector<512x128xf32>
    %sub3A_217 = vector.broadcast %get3A_6 : vector<512x1xf32> to vector<512x128xf32>
    %sub3A_218 = arith.subf %sub3A_217, %slice3A_216 : vector<512x128xf32>
    %add3A_219 = vector.broadcast %get3A_215 : vector<1x128xf32> to vector<512x128xf32>
    %add3A_220 = arith.addf %sub3A_218, %add3A_219 : vector<512x128xf32>
    %add3A_221 = arith.constant 1.920000e+03 : f32
    %add3A_222 = vector.broadcast %add3A_221 : f32 to vector<512x128xf32>
    %add3A_223 = arith.addf %convert_element_type3A_7, %add3A_222 : vector<512x128xf32>
    %lt3A_224 = arith.cmpf olt, %add3A_220, %min3A_211 : vector<512x128xf32>
    %min3A_225 = arith.minimumf %min3A_211, %add3A_220 : vector<512x128xf32>
    %select_n3A_226 = arith.select %lt3A_224, %add3A_223, %select_n3A_212 : vector<512x128xi1>, vector<512x128xf32>
    %get3A_227 = arith.constant 0 : index
    %get3A_228 = arith.constant 2048 : index
    %get3A_229 = vector.load %arg2[%get3A_227, %get3A_228] : memref<1x8448xf32, #tpu.memory_space<vmem>>, vector<1x128xf32>
    %slice3A_230 = vector.extract_strided_slice %dot_general3A_11 {offsets = [0, 2048], sizes = [512, 128], strides = [1, 1]} : vector<512x2816xf32> to vector<512x128xf32>
    %sub3A_231 = vector.broadcast %get3A_6 : vector<512x1xf32> to vector<512x128xf32>
    %sub3A_232 = arith.subf %sub3A_231, %slice3A_230 : vector<512x128xf32>
    %add3A_233 = vector.broadcast %get3A_229 : vector<1x128xf32> to vector<512x128xf32>
    %add3A_234 = arith.addf %sub3A_232, %add3A_233 : vector<512x128xf32>
    %add3A_235 = arith.constant 2.048000e+03 : f32
    %add3A_236 = vector.broadcast %add3A_235 : f32 to vector<512x128xf32>
    %add3A_237 = arith.addf %convert_element_type3A_7, %add3A_236 : vector<512x128xf32>
    %lt3A_238 = arith.cmpf olt, %add3A_234, %min3A_225 : vector<512x128xf32>
    %min3A_239 = arith.minimumf %min3A_225, %add3A_234 : vector<512x128xf32>
    %select_n3A_240 = arith.select %lt3A_238, %add3A_237, %select_n3A_226 : vector<512x128xi1>, vector<512x128xf32>
    %get3A_241 = arith.constant 0 : index
    %get3A_242 = arith.constant 2176 : index
    %get3A_243 = vector.load %arg2[%get3A_241, %get3A_242] : memref<1x8448xf32, #tpu.memory_space<vmem>>, vector<1x128xf32>
    %slice3A_244 = vector.extract_strided_slice %dot_general3A_11 {offsets = [0, 2176], sizes = [512, 128], strides = [1, 1]} : vector<512x2816xf32> to vector<512x128xf32>
    %sub3A_245 = vector.broadcast %get3A_6 : vector<512x1xf32> to vector<512x128xf32>
    %sub3A_246 = arith.subf %sub3A_245, %slice3A_244 : vector<512x128xf32>
    %add3A_247 = vector.broadcast %get3A_243 : vector<1x128xf32> to vector<512x128xf32>
    %add3A_248 = arith.addf %sub3A_246, %add3A_247 : vector<512x128xf32>
    %add3A_249 = arith.constant 2.176000e+03 : f32
    %add3A_250 = vector.broadcast %add3A_249 : f32 to vector<512x128xf32>
    %add3A_251 = arith.addf %convert_element_type3A_7, %add3A_250 : vector<512x128xf32>
    %lt3A_252 = arith.cmpf olt, %add3A_248, %min3A_239 : vector<512x128xf32>
    %min3A_253 = arith.minimumf %min3A_239, %add3A_248 : vector<512x128xf32>
    %select_n3A_254 = arith.select %lt3A_252, %add3A_251, %select_n3A_240 : vector<512x128xi1>, vector<512x128xf32>
    %get3A_255 = arith.constant 0 : index
    %get3A_256 = arith.constant 2304 : index
    %get3A_257 = vector.load %arg2[%get3A_255, %get3A_256] : memref<1x8448xf32, #tpu.memory_space<vmem>>, vector<1x128xf32>
    %slice3A_258 = vector.extract_strided_slice %dot_general3A_11 {offsets = [0, 2304], sizes = [512, 128], strides = [1, 1]} : vector<512x2816xf32> to vector<512x128xf32>
    %sub3A_259 = vector.broadcast %get3A_6 : vector<512x1xf32> to vector<512x128xf32>
    %sub3A_260 = arith.subf %sub3A_259, %slice3A_258 : vector<512x128xf32>
    %add3A_261 = vector.broadcast %get3A_257 : vector<1x128xf32> to vector<512x128xf32>
    %add3A_262 = arith.addf %sub3A_260, %add3A_261 : vector<512x128xf32>
    %add3A_263 = arith.constant 2.304000e+03 : f32
    %add3A_264 = vector.broadcast %add3A_263 : f32 to vector<512x128xf32>
    %add3A_265 = arith.addf %convert_element_type3A_7, %add3A_264 : vector<512x128xf32>
    %lt3A_266 = arith.cmpf olt, %add3A_262, %min3A_253 : vector<512x128xf32>
    %min3A_267 = arith.minimumf %min3A_253, %add3A_262 : vector<512x128xf32>
    %select_n3A_268 = arith.select %lt3A_266, %add3A_265, %select_n3A_254 : vector<512x128xi1>, vector<512x128xf32>
    %get3A_269 = arith.constant 0 : index
    %get3A_270 = arith.constant 2432 : index
    %get3A_271 = vector.load %arg2[%get3A_269, %get3A_270] : memref<1x8448xf32, #tpu.memory_space<vmem>>, vector<1x128xf32>
    %slice3A_272 = vector.extract_strided_slice %dot_general3A_11 {offsets = [0, 2432], sizes = [512, 128], strides = [1, 1]} : vector<512x2816xf32> to vector<512x128xf32>
    %sub3A_273 = vector.broadcast %get3A_6 : vector<512x1xf32> to vector<512x128xf32>
    %sub3A_274 = arith.subf %sub3A_273, %slice3A_272 : vector<512x128xf32>
    %add3A_275 = vector.broadcast %get3A_271 : vector<1x128xf32> to vector<512x128xf32>
    %add3A_276 = arith.addf %sub3A_274, %add3A_275 : vector<512x128xf32>
    %add3A_277 = arith.constant 2.432000e+03 : f32
    %add3A_278 = vector.broadcast %add3A_277 : f32 to vector<512x128xf32>
    %add3A_279 = arith.addf %convert_element_type3A_7, %add3A_278 : vector<512x128xf32>
    %lt3A_280 = arith.cmpf olt, %add3A_276, %min3A_267 : vector<512x128xf32>
    %min3A_281 = arith.minimumf %min3A_267, %add3A_276 : vector<512x128xf32>
    %select_n3A_282 = arith.select %lt3A_280, %add3A_279, %select_n3A_268 : vector<512x128xi1>, vector<512x128xf32>
    %get3A_283 = arith.constant 0 : index
    %get3A_284 = arith.constant 2560 : index
    %get3A_285 = vector.load %arg2[%get3A_283, %get3A_284] : memref<1x8448xf32, #tpu.memory_space<vmem>>, vector<1x128xf32>
    %slice3A_286 = vector.extract_strided_slice %dot_general3A_11 {offsets = [0, 2560], sizes = [512, 128], strides = [1, 1]} : vector<512x2816xf32> to vector<512x128xf32>
    %sub3A_287 = vector.broadcast %get3A_6 : vector<512x1xf32> to vector<512x128xf32>
    %sub3A_288 = arith.subf %sub3A_287, %slice3A_286 : vector<512x128xf32>
    %add3A_289 = vector.broadcast %get3A_285 : vector<1x128xf32> to vector<512x128xf32>
    %add3A_290 = arith.addf %sub3A_288, %add3A_289 : vector<512x128xf32>
    %add3A_291 = arith.constant 2.560000e+03 : f32
    %add3A_292 = vector.broadcast %add3A_291 : f32 to vector<512x128xf32>
    %add3A_293 = arith.addf %convert_element_type3A_7, %add3A_292 : vector<512x128xf32>
    %lt3A_294 = arith.cmpf olt, %add3A_290, %min3A_281 : vector<512x128xf32>
    %min3A_295 = arith.minimumf %min3A_281, %add3A_290 : vector<512x128xf32>
    %select_n3A_296 = arith.select %lt3A_294, %add3A_293, %select_n3A_282 : vector<512x128xi1>, vector<512x128xf32>
    %get3A_297 = arith.constant 0 : index
    %get3A_298 = arith.constant 2688 : index
    %get3A_299 = vector.load %arg2[%get3A_297, %get3A_298] : memref<1x8448xf32, #tpu.memory_space<vmem>>, vector<1x128xf32>
    %slice3A_300 = vector.extract_strided_slice %dot_general3A_11 {offsets = [0, 2688], sizes = [512, 128], strides = [1, 1]} : vector<512x2816xf32> to vector<512x128xf32>
    %sub3A_301 = vector.broadcast %get3A_6 : vector<512x1xf32> to vector<512x128xf32>
    %sub3A_302 = arith.subf %sub3A_301, %slice3A_300 : vector<512x128xf32>
    %add3A_303 = vector.broadcast %get3A_299 : vector<1x128xf32> to vector<512x128xf32>
    %add3A_304 = arith.addf %sub3A_302, %add3A_303 : vector<512x128xf32>
    %add3A_305 = arith.constant 2.688000e+03 : f32
    %add3A_306 = vector.broadcast %add3A_305 : f32 to vector<512x128xf32>
    %add3A_307 = arith.addf %convert_element_type3A_7, %add3A_306 : vector<512x128xf32>
    %lt3A_308 = arith.cmpf olt, %add3A_304, %min3A_295 : vector<512x128xf32>
    %min3A_309 = arith.minimumf %min3A_295, %add3A_304 : vector<512x128xf32>
    %select_n3A_310 = arith.select %lt3A_308, %add3A_307, %select_n3A_296 : vector<512x128xi1>, vector<512x128xf32>
    %reduce_min3A = arith.constant dense<0x7F800000> : vector<512xf32>
    %reduce_min3A_311 = vector.multi_reduction <minimumf>, %min3A_309, %reduce_min3A [1] : vector<512x128xf32> to vector<512xf32>
    %broadcast_in_dim3A = vector.shape_cast %reduce_min3A_311 : vector<512xf32> to vector<512x1xf32>
    %eq3A = vector.broadcast %broadcast_in_dim3A : vector<512x1xf32> to vector<512x128xf32>
    %eq3A_312 = arith.cmpf oeq, %min3A_309, %eq3A : vector<512x128xf32>
    %jit3A = arith.constant 8.192000e+03 : f32
    %broadcast_in_dim3A_313 = vector.broadcast %jit3A : f32 to vector<512x128xf32>
    %select_n3A_314 = arith.select %eq3A_312, %select_n3A_310, %broadcast_in_dim3A_313 : vector<512x128xi1>, vector<512x128xf32>
    %reduce_min3A_315 = arith.constant dense<0x7F800000> : vector<512xf32>
    %reduce_min3A_316 = vector.multi_reduction <minimumf>, %select_n3A_314, %reduce_min3A_315 [1] : vector<512x128xf32> to vector<512xf32>
    %broadcast_in_dim3A_317 = vector.shape_cast %reduce_min3A_316 : vector<512xf32> to vector<512x1xf32>
    %convert_element_type3A_318 = arith.fptosi %broadcast_in_dim3A_317 : vector<512x1xf32> to vector<512x1xi32>
    %add3A_319 = arith.constant 0 : i32
    %add3A_320 = vector.broadcast %add3A_319 : i32 to vector<512x1xi32>
    %add3A_321 = arith.addi %convert_element_type3A_318, %add3A_320 : vector<512x1xi32>
    %get3A_322 = arith.constant 2816 : index
    %get3A_323 = arith.constant 0 : index
    %get3A_324 = vector.load %arg4[%get3A_322, %get3A_323] : memref<8448x256xbf16, #tpu.memory_space<vmem>>, vector<2816x256xbf16>
    %dot_general3A_325 = arith.constant dense<0.000000e+00> : vector<512x2816xf32>
    %dot_general3A_326 = tpu.matmul %convert_element_type3A, %get3A_324, %dot_general3A_325 {dimension_numbers = #tpu.dot_dimension_numbers<[1], [1], [0], [0], [0, 0, 1, 0], [], []>, transpose_lhs_hint = false} : vector<512x256xbf16>, vector<2816x256xbf16>, vector<512x2816xf32> -> vector<512x2816xf32>
    %get3A_327 = arith.constant 0 : index
    %get3A_328 = arith.constant 2816 : index
    %get3A_329 = vector.load %arg2[%get3A_327, %get3A_328] : memref<1x8448xf32, #tpu.memory_space<vmem>>, vector<1x128xf32>
    %slice3A_330 = vector.extract_strided_slice %dot_general3A_326 {offsets = [0, 0], sizes = [512, 128], strides = [1, 1]} : vector<512x2816xf32> to vector<512x128xf32>
    %sub3A_331 = vector.broadcast %get3A_6 : vector<512x1xf32> to vector<512x128xf32>
    %sub3A_332 = arith.subf %sub3A_331, %slice3A_330 : vector<512x128xf32>
    %add3A_333 = vector.broadcast %get3A_329 : vector<1x128xf32> to vector<512x128xf32>
    %add3A_334 = arith.addf %sub3A_332, %add3A_333 : vector<512x128xf32>
    %add3A_335 = arith.constant 0.000000e+00 : f32
    %add3A_336 = vector.broadcast %add3A_335 : f32 to vector<512x128xf32>
    %add3A_337 = arith.addf %convert_element_type3A_7, %add3A_336 : vector<512x128xf32>
    %get3A_338 = arith.constant 0 : index
    %get3A_339 = arith.constant 2944 : index
    %get3A_340 = vector.load %arg2[%get3A_338, %get3A_339] : memref<1x8448xf32, #tpu.memory_space<vmem>>, vector<1x128xf32>
    %slice3A_341 = vector.extract_strided_slice %dot_general3A_326 {offsets = [0, 128], sizes = [512, 128], strides = [1, 1]} : vector<512x2816xf32> to vector<512x128xf32>
    %sub3A_342 = vector.broadcast %get3A_6 : vector<512x1xf32> to vector<512x128xf32>
    %sub3A_343 = arith.subf %sub3A_342, %slice3A_341 : vector<512x128xf32>
    %add3A_344 = vector.broadcast %get3A_340 : vector<1x128xf32> to vector<512x128xf32>
    %add3A_345 = arith.addf %sub3A_343, %add3A_344 : vector<512x128xf32>
    %add3A_346 = arith.constant 1.280000e+02 : f32
    %add3A_347 = vector.broadcast %add3A_346 : f32 to vector<512x128xf32>
    %add3A_348 = arith.addf %convert_element_type3A_7, %add3A_347 : vector<512x128xf32>
    %lt3A_349 = arith.cmpf olt, %add3A_345, %add3A_334 : vector<512x128xf32>
    %min3A_350 = arith.minimumf %add3A_334, %add3A_345 : vector<512x128xf32>
    %select_n3A_351 = arith.select %lt3A_349, %add3A_348, %add3A_337 : vector<512x128xi1>, vector<512x128xf32>
    %get3A_352 = arith.constant 0 : index
    %get3A_353 = arith.constant 3072 : index
    %get3A_354 = vector.load %arg2[%get3A_352, %get3A_353] : memref<1x8448xf32, #tpu.memory_space<vmem>>, vector<1x128xf32>
    %slice3A_355 = vector.extract_strided_slice %dot_general3A_326 {offsets = [0, 256], sizes = [512, 128], strides = [1, 1]} : vector<512x2816xf32> to vector<512x128xf32>
    %sub3A_356 = vector.broadcast %get3A_6 : vector<512x1xf32> to vector<512x128xf32>
    %sub3A_357 = arith.subf %sub3A_356, %slice3A_355 : vector<512x128xf32>
    %add3A_358 = vector.broadcast %get3A_354 : vector<1x128xf32> to vector<512x128xf32>
    %add3A_359 = arith.addf %sub3A_357, %add3A_358 : vector<512x128xf32>
    %add3A_360 = arith.constant 2.560000e+02 : f32
    %add3A_361 = vector.broadcast %add3A_360 : f32 to vector<512x128xf32>
    %add3A_362 = arith.addf %convert_element_type3A_7, %add3A_361 : vector<512x128xf32>
    %lt3A_363 = arith.cmpf olt, %add3A_359, %min3A_350 : vector<512x128xf32>
    %min3A_364 = arith.minimumf %min3A_350, %add3A_359 : vector<512x128xf32>
    %select_n3A_365 = arith.select %lt3A_363, %add3A_362, %select_n3A_351 : vector<512x128xi1>, vector<512x128xf32>
    %get3A_366 = arith.constant 0 : index
    %get3A_367 = arith.constant 3200 : index
    %get3A_368 = vector.load %arg2[%get3A_366, %get3A_367] : memref<1x8448xf32, #tpu.memory_space<vmem>>, vector<1x128xf32>
    %slice3A_369 = vector.extract_strided_slice %dot_general3A_326 {offsets = [0, 384], sizes = [512, 128], strides = [1, 1]} : vector<512x2816xf32> to vector<512x128xf32>
    %sub3A_370 = vector.broadcast %get3A_6 : vector<512x1xf32> to vector<512x128xf32>
    %sub3A_371 = arith.subf %sub3A_370, %slice3A_369 : vector<512x128xf32>
    %add3A_372 = vector.broadcast %get3A_368 : vector<1x128xf32> to vector<512x128xf32>
    %add3A_373 = arith.addf %sub3A_371, %add3A_372 : vector<512x128xf32>
    %add3A_374 = arith.constant 3.840000e+02 : f32
    %add3A_375 = vector.broadcast %add3A_374 : f32 to vector<512x128xf32>
    %add3A_376 = arith.addf %convert_element_type3A_7, %add3A_375 : vector<512x128xf32>
    %lt3A_377 = arith.cmpf olt, %add3A_373, %min3A_364 : vector<512x128xf32>
    %min3A_378 = arith.minimumf %min3A_364, %add3A_373 : vector<512x128xf32>
    %select_n3A_379 = arith.select %lt3A_377, %add3A_376, %select_n3A_365 : vector<512x128xi1>, vector<512x128xf32>
    %get3A_380 = arith.constant 0 : index
    %get3A_381 = arith.constant 3328 : index
    %get3A_382 = vector.load %arg2[%get3A_380, %get3A_381] : memref<1x8448xf32, #tpu.memory_space<vmem>>, vector<1x128xf32>
    %slice3A_383 = vector.extract_strided_slice %dot_general3A_326 {offsets = [0, 512], sizes = [512, 128], strides = [1, 1]} : vector<512x2816xf32> to vector<512x128xf32>
    %sub3A_384 = vector.broadcast %get3A_6 : vector<512x1xf32> to vector<512x128xf32>
    %sub3A_385 = arith.subf %sub3A_384, %slice3A_383 : vector<512x128xf32>
    %add3A_386 = vector.broadcast %get3A_382 : vector<1x128xf32> to vector<512x128xf32>
    %add3A_387 = arith.addf %sub3A_385, %add3A_386 : vector<512x128xf32>
    %add3A_388 = arith.constant 5.120000e+02 : f32
    %add3A_389 = vector.broadcast %add3A_388 : f32 to vector<512x128xf32>
    %add3A_390 = arith.addf %convert_element_type3A_7, %add3A_389 : vector<512x128xf32>
    %lt3A_391 = arith.cmpf olt, %add3A_387, %min3A_378 : vector<512x128xf32>
    %min3A_392 = arith.minimumf %min3A_378, %add3A_387 : vector<512x128xf32>
    %select_n3A_393 = arith.select %lt3A_391, %add3A_390, %select_n3A_379 : vector<512x128xi1>, vector<512x128xf32>
    %get3A_394 = arith.constant 0 : index
    %get3A_395 = arith.constant 3456 : index
    %get3A_396 = vector.load %arg2[%get3A_394, %get3A_395] : memref<1x8448xf32, #tpu.memory_space<vmem>>, vector<1x128xf32>
    %slice3A_397 = vector.extract_strided_slice %dot_general3A_326 {offsets = [0, 640], sizes = [512, 128], strides = [1, 1]} : vector<512x2816xf32> to vector<512x128xf32>
    %sub3A_398 = vector.broadcast %get3A_6 : vector<512x1xf32> to vector<512x128xf32>
    %sub3A_399 = arith.subf %sub3A_398, %slice3A_397 : vector<512x128xf32>
    %add3A_400 = vector.broadcast %get3A_396 : vector<1x128xf32> to vector<512x128xf32>
    %add3A_401 = arith.addf %sub3A_399, %add3A_400 : vector<512x128xf32>
    %add3A_402 = arith.constant 6.400000e+02 : f32
    %add3A_403 = vector.broadcast %add3A_402 : f32 to vector<512x128xf32>
    %add3A_404 = arith.addf %convert_element_type3A_7, %add3A_403 : vector<512x128xf32>
    %lt3A_405 = arith.cmpf olt, %add3A_401, %min3A_392 : vector<512x128xf32>
    %min3A_406 = arith.minimumf %min3A_392, %add3A_401 : vector<512x128xf32>
    %select_n3A_407 = arith.select %lt3A_405, %add3A_404, %select_n3A_393 : vector<512x128xi1>, vector<512x128xf32>
    %get3A_408 = arith.constant 0 : index
    %get3A_409 = arith.constant 3584 : index
    %get3A_410 = vector.load %arg2[%get3A_408, %get3A_409] : memref<1x8448xf32, #tpu.memory_space<vmem>>, vector<1x128xf32>
    %slice3A_411 = vector.extract_strided_slice %dot_general3A_326 {offsets = [0, 768], sizes = [512, 128], strides = [1, 1]} : vector<512x2816xf32> to vector<512x128xf32>
    %sub3A_412 = vector.broadcast %get3A_6 : vector<512x1xf32> to vector<512x128xf32>
    %sub3A_413 = arith.subf %sub3A_412, %slice3A_411 : vector<512x128xf32>
    %add3A_414 = vector.broadcast %get3A_410 : vector<1x128xf32> to vector<512x128xf32>
    %add3A_415 = arith.addf %sub3A_413, %add3A_414 : vector<512x128xf32>
    %add3A_416 = arith.constant 7.680000e+02 : f32
    %add3A_417 = vector.broadcast %add3A_416 : f32 to vector<512x128xf32>
    %add3A_418 = arith.addf %convert_element_type3A_7, %add3A_417 : vector<512x128xf32>
    %lt3A_419 = arith.cmpf olt, %add3A_415, %min3A_406 : vector<512x128xf32>
    %min3A_420 = arith.minimumf %min3A_406, %add3A_415 : vector<512x128xf32>
    %select_n3A_421 = arith.select %lt3A_419, %add3A_418, %select_n3A_407 : vector<512x128xi1>, vector<512x128xf32>
    %get3A_422 = arith.constant 0 : index
    %get3A_423 = arith.constant 3712 : index
    %get3A_424 = vector.load %arg2[%get3A_422, %get3A_423] : memref<1x8448xf32, #tpu.memory_space<vmem>>, vector<1x128xf32>
    %slice3A_425 = vector.extract_strided_slice %dot_general3A_326 {offsets = [0, 896], sizes = [512, 128], strides = [1, 1]} : vector<512x2816xf32> to vector<512x128xf32>
    %sub3A_426 = vector.broadcast %get3A_6 : vector<512x1xf32> to vector<512x128xf32>
    %sub3A_427 = arith.subf %sub3A_426, %slice3A_425 : vector<512x128xf32>
    %add3A_428 = vector.broadcast %get3A_424 : vector<1x128xf32> to vector<512x128xf32>
    %add3A_429 = arith.addf %sub3A_427, %add3A_428 : vector<512x128xf32>
    %add3A_430 = arith.constant 8.960000e+02 : f32
    %add3A_431 = vector.broadcast %add3A_430 : f32 to vector<512x128xf32>
    %add3A_432 = arith.addf %convert_element_type3A_7, %add3A_431 : vector<512x128xf32>
    %lt3A_433 = arith.cmpf olt, %add3A_429, %min3A_420 : vector<512x128xf32>
    %min3A_434 = arith.minimumf %min3A_420, %add3A_429 : vector<512x128xf32>
    %select_n3A_435 = arith.select %lt3A_433, %add3A_432, %select_n3A_421 : vector<512x128xi1>, vector<512x128xf32>
    %get3A_436 = arith.constant 0 : index
    %get3A_437 = arith.constant 3840 : index
    %get3A_438 = vector.load %arg2[%get3A_436, %get3A_437] : memref<1x8448xf32, #tpu.memory_space<vmem>>, vector<1x128xf32>
    %slice3A_439 = vector.extract_strided_slice %dot_general3A_326 {offsets = [0, 1024], sizes = [512, 128], strides = [1, 1]} : vector<512x2816xf32> to vector<512x128xf32>
    %sub3A_440 = vector.broadcast %get3A_6 : vector<512x1xf32> to vector<512x128xf32>
    %sub3A_441 = arith.subf %sub3A_440, %slice3A_439 : vector<512x128xf32>
    %add3A_442 = vector.broadcast %get3A_438 : vector<1x128xf32> to vector<512x128xf32>
    %add3A_443 = arith.addf %sub3A_441, %add3A_442 : vector<512x128xf32>
    %add3A_444 = arith.constant 1.024000e+03 : f32
    %add3A_445 = vector.broadcast %add3A_444 : f32 to vector<512x128xf32>
    %add3A_446 = arith.addf %convert_element_type3A_7, %add3A_445 : vector<512x128xf32>
    %lt3A_447 = arith.cmpf olt, %add3A_443, %min3A_434 : vector<512x128xf32>
    %min3A_448 = arith.minimumf %min3A_434, %add3A_443 : vector<512x128xf32>
    %select_n3A_449 = arith.select %lt3A_447, %add3A_446, %select_n3A_435 : vector<512x128xi1>, vector<512x128xf32>
    %get3A_450 = arith.constant 0 : index
    %get3A_451 = arith.constant 3968 : index
    %get3A_452 = vector.load %arg2[%get3A_450, %get3A_451] : memref<1x8448xf32, #tpu.memory_space<vmem>>, vector<1x128xf32>
    %slice3A_453 = vector.extract_strided_slice %dot_general3A_326 {offsets = [0, 1152], sizes = [512, 128], strides = [1, 1]} : vector<512x2816xf32> to vector<512x128xf32>
    %sub3A_454 = vector.broadcast %get3A_6 : vector<512x1xf32> to vector<512x128xf32>
    %sub3A_455 = arith.subf %sub3A_454, %slice3A_453 : vector<512x128xf32>
    %add3A_456 = vector.broadcast %get3A_452 : vector<1x128xf32> to vector<512x128xf32>
    %add3A_457 = arith.addf %sub3A_455, %add3A_456 : vector<512x128xf32>
    %add3A_458 = arith.constant 1.152000e+03 : f32
    %add3A_459 = vector.broadcast %add3A_458 : f32 to vector<512x128xf32>
    %add3A_460 = arith.addf %convert_element_type3A_7, %add3A_459 : vector<512x128xf32>
    %lt3A_461 = arith.cmpf olt, %add3A_457, %min3A_448 : vector<512x128xf32>
    %min3A_462 = arith.minimumf %min3A_448, %add3A_457 : vector<512x128xf32>
    %select_n3A_463 = arith.select %lt3A_461, %add3A_460, %select_n3A_449 : vector<512x128xi1>, vector<512x128xf32>
    %get3A_464 = arith.constant 0 : index
    %get3A_465 = arith.constant 4096 : index
    %get3A_466 = vector.load %arg2[%get3A_464, %get3A_465] : memref<1x8448xf32, #tpu.memory_space<vmem>>, vector<1x128xf32>
    %slice3A_467 = vector.extract_strided_slice %dot_general3A_326 {offsets = [0, 1280], sizes = [512, 128], strides = [1, 1]} : vector<512x2816xf32> to vector<512x128xf32>
    %sub3A_468 = vector.broadcast %get3A_6 : vector<512x1xf32> to vector<512x128xf32>
    %sub3A_469 = arith.subf %sub3A_468, %slice3A_467 : vector<512x128xf32>
    %add3A_470 = vector.broadcast %get3A_466 : vector<1x128xf32> to vector<512x128xf32>
    %add3A_471 = arith.addf %sub3A_469, %add3A_470 : vector<512x128xf32>
    %add3A_472 = arith.constant 1.280000e+03 : f32
    %add3A_473 = vector.broadcast %add3A_472 : f32 to vector<512x128xf32>
    %add3A_474 = arith.addf %convert_element_type3A_7, %add3A_473 : vector<512x128xf32>
    %lt3A_475 = arith.cmpf olt, %add3A_471, %min3A_462 : vector<512x128xf32>
    %min3A_476 = arith.minimumf %min3A_462, %add3A_471 : vector<512x128xf32>
    %select_n3A_477 = arith.select %lt3A_475, %add3A_474, %select_n3A_463 : vector<512x128xi1>, vector<512x128xf32>
    %get3A_478 = arith.constant 0 : index
    %get3A_479 = arith.constant 4224 : index
    %get3A_480 = vector.load %arg2[%get3A_478, %get3A_479] : memref<1x8448xf32, #tpu.memory_space<vmem>>, vector<1x128xf32>
    %slice3A_481 = vector.extract_strided_slice %dot_general3A_326 {offsets = [0, 1408], sizes = [512, 128], strides = [1, 1]} : vector<512x2816xf32> to vector<512x128xf32>
    %sub3A_482 = vector.broadcast %get3A_6 : vector<512x1xf32> to vector<512x128xf32>
    %sub3A_483 = arith.subf %sub3A_482, %slice3A_481 : vector<512x128xf32>
    %add3A_484 = vector.broadcast %get3A_480 : vector<1x128xf32> to vector<512x128xf32>
    %add3A_485 = arith.addf %sub3A_483, %add3A_484 : vector<512x128xf32>
    %add3A_486 = arith.constant 1.408000e+03 : f32
    %add3A_487 = vector.broadcast %add3A_486 : f32 to vector<512x128xf32>
    %add3A_488 = arith.addf %convert_element_type3A_7, %add3A_487 : vector<512x128xf32>
    %lt3A_489 = arith.cmpf olt, %add3A_485, %min3A_476 : vector<512x128xf32>
    %min3A_490 = arith.minimumf %min3A_476, %add3A_485 : vector<512x128xf32>
    %select_n3A_491 = arith.select %lt3A_489, %add3A_488, %select_n3A_477 : vector<512x128xi1>, vector<512x128xf32>
    %get3A_492 = arith.constant 0 : index
    %get3A_493 = arith.constant 4352 : index
    %get3A_494 = vector.load %arg2[%get3A_492, %get3A_493] : memref<1x8448xf32, #tpu.memory_space<vmem>>, vector<1x128xf32>
    %slice3A_495 = vector.extract_strided_slice %dot_general3A_326 {offsets = [0, 1536], sizes = [512, 128], strides = [1, 1]} : vector<512x2816xf32> to vector<512x128xf32>
    %sub3A_496 = vector.broadcast %get3A_6 : vector<512x1xf32> to vector<512x128xf32>
    %sub3A_497 = arith.subf %sub3A_496, %slice3A_495 : vector<512x128xf32>
    %add3A_498 = vector.broadcast %get3A_494 : vector<1x128xf32> to vector<512x128xf32>
    %add3A_499 = arith.addf %sub3A_497, %add3A_498 : vector<512x128xf32>
    %add3A_500 = arith.constant 1.536000e+03 : f32
    %add3A_501 = vector.broadcast %add3A_500 : f32 to vector<512x128xf32>
    %add3A_502 = arith.addf %convert_element_type3A_7, %add3A_501 : vector<512x128xf32>
    %lt3A_503 = arith.cmpf olt, %add3A_499, %min3A_490 : vector<512x128xf32>
    %min3A_504 = arith.minimumf %min3A_490, %add3A_499 : vector<512x128xf32>
    %select_n3A_505 = arith.select %lt3A_503, %add3A_502, %select_n3A_491 : vector<512x128xi1>, vector<512x128xf32>
    %get3A_506 = arith.constant 0 : index
    %get3A_507 = arith.constant 4480 : index
    %get3A_508 = vector.load %arg2[%get3A_506, %get3A_507] : memref<1x8448xf32, #tpu.memory_space<vmem>>, vector<1x128xf32>
    %slice3A_509 = vector.extract_strided_slice %dot_general3A_326 {offsets = [0, 1664], sizes = [512, 128], strides = [1, 1]} : vector<512x2816xf32> to vector<512x128xf32>
    %sub3A_510 = vector.broadcast %get3A_6 : vector<512x1xf32> to vector<512x128xf32>
    %sub3A_511 = arith.subf %sub3A_510, %slice3A_509 : vector<512x128xf32>
    %add3A_512 = vector.broadcast %get3A_508 : vector<1x128xf32> to vector<512x128xf32>
    %add3A_513 = arith.addf %sub3A_511, %add3A_512 : vector<512x128xf32>
    %add3A_514 = arith.constant 1.664000e+03 : f32
    %add3A_515 = vector.broadcast %add3A_514 : f32 to vector<512x128xf32>
    %add3A_516 = arith.addf %convert_element_type3A_7, %add3A_515 : vector<512x128xf32>
    %lt3A_517 = arith.cmpf olt, %add3A_513, %min3A_504 : vector<512x128xf32>
    %min3A_518 = arith.minimumf %min3A_504, %add3A_513 : vector<512x128xf32>
    %select_n3A_519 = arith.select %lt3A_517, %add3A_516, %select_n3A_505 : vector<512x128xi1>, vector<512x128xf32>
    %get3A_520 = arith.constant 0 : index
    %get3A_521 = arith.constant 4608 : index
    %get3A_522 = vector.load %arg2[%get3A_520, %get3A_521] : memref<1x8448xf32, #tpu.memory_space<vmem>>, vector<1x128xf32>
    %slice3A_523 = vector.extract_strided_slice %dot_general3A_326 {offsets = [0, 1792], sizes = [512, 128], strides = [1, 1]} : vector<512x2816xf32> to vector<512x128xf32>
    %sub3A_524 = vector.broadcast %get3A_6 : vector<512x1xf32> to vector<512x128xf32>
    %sub3A_525 = arith.subf %sub3A_524, %slice3A_523 : vector<512x128xf32>
    %add3A_526 = vector.broadcast %get3A_522 : vector<1x128xf32> to vector<512x128xf32>
    %add3A_527 = arith.addf %sub3A_525, %add3A_526 : vector<512x128xf32>
    %add3A_528 = arith.constant 1.792000e+03 : f32
    %add3A_529 = vector.broadcast %add3A_528 : f32 to vector<512x128xf32>
    %add3A_530 = arith.addf %convert_element_type3A_7, %add3A_529 : vector<512x128xf32>
    %lt3A_531 = arith.cmpf olt, %add3A_527, %min3A_518 : vector<512x128xf32>
    %min3A_532 = arith.minimumf %min3A_518, %add3A_527 : vector<512x128xf32>
    %select_n3A_533 = arith.select %lt3A_531, %add3A_530, %select_n3A_519 : vector<512x128xi1>, vector<512x128xf32>
    %get3A_534 = arith.constant 0 : index
    %get3A_535 = arith.constant 4736 : index
    %get3A_536 = vector.load %arg2[%get3A_534, %get3A_535] : memref<1x8448xf32, #tpu.memory_space<vmem>>, vector<1x128xf32>
    %slice3A_537 = vector.extract_strided_slice %dot_general3A_326 {offsets = [0, 1920], sizes = [512, 128], strides = [1, 1]} : vector<512x2816xf32> to vector<512x128xf32>
    %sub3A_538 = vector.broadcast %get3A_6 : vector<512x1xf32> to vector<512x128xf32>
    %sub3A_539 = arith.subf %sub3A_538, %slice3A_537 : vector<512x128xf32>
    %add3A_540 = vector.broadcast %get3A_536 : vector<1x128xf32> to vector<512x128xf32>
    %add3A_541 = arith.addf %sub3A_539, %add3A_540 : vector<512x128xf32>
    %add3A_542 = arith.constant 1.920000e+03 : f32
    %add3A_543 = vector.broadcast %add3A_542 : f32 to vector<512x128xf32>
    %add3A_544 = arith.addf %convert_element_type3A_7, %add3A_543 : vector<512x128xf32>
    %lt3A_545 = arith.cmpf olt, %add3A_541, %min3A_532 : vector<512x128xf32>
    %min3A_546 = arith.minimumf %min3A_532, %add3A_541 : vector<512x128xf32>
    %select_n3A_547 = arith.select %lt3A_545, %add3A_544, %select_n3A_533 : vector<512x128xi1>, vector<512x128xf32>
    %get3A_548 = arith.constant 0 : index
    %get3A_549 = arith.constant 4864 : index
    %get3A_550 = vector.load %arg2[%get3A_548, %get3A_549] : memref<1x8448xf32, #tpu.memory_space<vmem>>, vector<1x128xf32>
    %slice3A_551 = vector.extract_strided_slice %dot_general3A_326 {offsets = [0, 2048], sizes = [512, 128], strides = [1, 1]} : vector<512x2816xf32> to vector<512x128xf32>
    %sub3A_552 = vector.broadcast %get3A_6 : vector<512x1xf32> to vector<512x128xf32>
    %sub3A_553 = arith.subf %sub3A_552, %slice3A_551 : vector<512x128xf32>
    %add3A_554 = vector.broadcast %get3A_550 : vector<1x128xf32> to vector<512x128xf32>
    %add3A_555 = arith.addf %sub3A_553, %add3A_554 : vector<512x128xf32>
    %add3A_556 = arith.constant 2.048000e+03 : f32
    %add3A_557 = vector.broadcast %add3A_556 : f32 to vector<512x128xf32>
    %add3A_558 = arith.addf %convert_element_type3A_7, %add3A_557 : vector<512x128xf32>
    %lt3A_559 = arith.cmpf olt, %add3A_555, %min3A_546 : vector<512x128xf32>
    %min3A_560 = arith.minimumf %min3A_546, %add3A_555 : vector<512x128xf32>
    %select_n3A_561 = arith.select %lt3A_559, %add3A_558, %select_n3A_547 : vector<512x128xi1>, vector<512x128xf32>
    %get3A_562 = arith.constant 0 : index
    %get3A_563 = arith.constant 4992 : index
    %get3A_564 = vector.load %arg2[%get3A_562, %get3A_563] : memref<1x8448xf32, #tpu.memory_space<vmem>>, vector<1x128xf32>
    %slice3A_565 = vector.extract_strided_slice %dot_general3A_326 {offsets = [0, 2176], sizes = [512, 128], strides = [1, 1]} : vector<512x2816xf32> to vector<512x128xf32>
    %sub3A_566 = vector.broadcast %get3A_6 : vector<512x1xf32> to vector<512x128xf32>
    %sub3A_567 = arith.subf %sub3A_566, %slice3A_565 : vector<512x128xf32>
    %add3A_568 = vector.broadcast %get3A_564 : vector<1x128xf32> to vector<512x128xf32>
    %add3A_569 = arith.addf %sub3A_567, %add3A_568 : vector<512x128xf32>
    %add3A_570 = arith.constant 2.176000e+03 : f32
    %add3A_571 = vector.broadcast %add3A_570 : f32 to vector<512x128xf32>
    %add3A_572 = arith.addf %convert_element_type3A_7, %add3A_571 : vector<512x128xf32>
    %lt3A_573 = arith.cmpf olt, %add3A_569, %min3A_560 : vector<512x128xf32>
    %min3A_574 = arith.minimumf %min3A_560, %add3A_569 : vector<512x128xf32>
    %select_n3A_575 = arith.select %lt3A_573, %add3A_572, %select_n3A_561 : vector<512x128xi1>, vector<512x128xf32>
    %get3A_576 = arith.constant 0 : index
    %get3A_577 = arith.constant 5120 : index
    %get3A_578 = vector.load %arg2[%get3A_576, %get3A_577] : memref<1x8448xf32, #tpu.memory_space<vmem>>, vector<1x128xf32>
    %slice3A_579 = vector.extract_strided_slice %dot_general3A_326 {offsets = [0, 2304], sizes = [512, 128], strides = [1, 1]} : vector<512x2816xf32> to vector<512x128xf32>
    %sub3A_580 = vector.broadcast %get3A_6 : vector<512x1xf32> to vector<512x128xf32>
    %sub3A_581 = arith.subf %sub3A_580, %slice3A_579 : vector<512x128xf32>
    %add3A_582 = vector.broadcast %get3A_578 : vector<1x128xf32> to vector<512x128xf32>
    %add3A_583 = arith.addf %sub3A_581, %add3A_582 : vector<512x128xf32>
    %add3A_584 = arith.constant 2.304000e+03 : f32
    %add3A_585 = vector.broadcast %add3A_584 : f32 to vector<512x128xf32>
    %add3A_586 = arith.addf %convert_element_type3A_7, %add3A_585 : vector<512x128xf32>
    %lt3A_587 = arith.cmpf olt, %add3A_583, %min3A_574 : vector<512x128xf32>
    %min3A_588 = arith.minimumf %min3A_574, %add3A_583 : vector<512x128xf32>
    %select_n3A_589 = arith.select %lt3A_587, %add3A_586, %select_n3A_575 : vector<512x128xi1>, vector<512x128xf32>
    %get3A_590 = arith.constant 0 : index
    %get3A_591 = arith.constant 5248 : index
    %get3A_592 = vector.load %arg2[%get3A_590, %get3A_591] : memref<1x8448xf32, #tpu.memory_space<vmem>>, vector<1x128xf32>
    %slice3A_593 = vector.extract_strided_slice %dot_general3A_326 {offsets = [0, 2432], sizes = [512, 128], strides = [1, 1]} : vector<512x2816xf32> to vector<512x128xf32>
    %sub3A_594 = vector.broadcast %get3A_6 : vector<512x1xf32> to vector<512x128xf32>
    %sub3A_595 = arith.subf %sub3A_594, %slice3A_593 : vector<512x128xf32>
    %add3A_596 = vector.broadcast %get3A_592 : vector<1x128xf32> to vector<512x128xf32>
    %add3A_597 = arith.addf %sub3A_595, %add3A_596 : vector<512x128xf32>
    %add3A_598 = arith.constant 2.432000e+03 : f32
    %add3A_599 = vector.broadcast %add3A_598 : f32 to vector<512x128xf32>
    %add3A_600 = arith.addf %convert_element_type3A_7, %add3A_599 : vector<512x128xf32>
    %lt3A_601 = arith.cmpf olt, %add3A_597, %min3A_588 : vector<512x128xf32>
    %min3A_602 = arith.minimumf %min3A_588, %add3A_597 : vector<512x128xf32>
    %select_n3A_603 = arith.select %lt3A_601, %add3A_600, %select_n3A_589 : vector<512x128xi1>, vector<512x128xf32>
    %get3A_604 = arith.constant 0 : index
    %get3A_605 = arith.constant 5376 : index
    %get3A_606 = vector.load %arg2[%get3A_604, %get3A_605] : memref<1x8448xf32, #tpu.memory_space<vmem>>, vector<1x128xf32>
    %slice3A_607 = vector.extract_strided_slice %dot_general3A_326 {offsets = [0, 2560], sizes = [512, 128], strides = [1, 1]} : vector<512x2816xf32> to vector<512x128xf32>
    %sub3A_608 = vector.broadcast %get3A_6 : vector<512x1xf32> to vector<512x128xf32>
    %sub3A_609 = arith.subf %sub3A_608, %slice3A_607 : vector<512x128xf32>
    %add3A_610 = vector.broadcast %get3A_606 : vector<1x128xf32> to vector<512x128xf32>
    %add3A_611 = arith.addf %sub3A_609, %add3A_610 : vector<512x128xf32>
    %add3A_612 = arith.constant 2.560000e+03 : f32
    %add3A_613 = vector.broadcast %add3A_612 : f32 to vector<512x128xf32>
    %add3A_614 = arith.addf %convert_element_type3A_7, %add3A_613 : vector<512x128xf32>
    %lt3A_615 = arith.cmpf olt, %add3A_611, %min3A_602 : vector<512x128xf32>
    %min3A_616 = arith.minimumf %min3A_602, %add3A_611 : vector<512x128xf32>
    %select_n3A_617 = arith.select %lt3A_615, %add3A_614, %select_n3A_603 : vector<512x128xi1>, vector<512x128xf32>
    %get3A_618 = arith.constant 0 : index
    %get3A_619 = arith.constant 5504 : index
    %get3A_620 = vector.load %arg2[%get3A_618, %get3A_619] : memref<1x8448xf32, #tpu.memory_space<vmem>>, vector<1x128xf32>
    %slice3A_621 = vector.extract_strided_slice %dot_general3A_326 {offsets = [0, 2688], sizes = [512, 128], strides = [1, 1]} : vector<512x2816xf32> to vector<512x128xf32>
    %sub3A_622 = vector.broadcast %get3A_6 : vector<512x1xf32> to vector<512x128xf32>
    %sub3A_623 = arith.subf %sub3A_622, %slice3A_621 : vector<512x128xf32>
    %add3A_624 = vector.broadcast %get3A_620 : vector<1x128xf32> to vector<512x128xf32>
    %add3A_625 = arith.addf %sub3A_623, %add3A_624 : vector<512x128xf32>
    %add3A_626 = arith.constant 2.688000e+03 : f32
    %add3A_627 = vector.broadcast %add3A_626 : f32 to vector<512x128xf32>
    %add3A_628 = arith.addf %convert_element_type3A_7, %add3A_627 : vector<512x128xf32>
    %lt3A_629 = arith.cmpf olt, %add3A_625, %min3A_616 : vector<512x128xf32>
    %min3A_630 = arith.minimumf %min3A_616, %add3A_625 : vector<512x128xf32>
    %select_n3A_631 = arith.select %lt3A_629, %add3A_628, %select_n3A_617 : vector<512x128xi1>, vector<512x128xf32>
    %reduce_min3A_632 = arith.constant dense<0x7F800000> : vector<512xf32>
    %reduce_min3A_633 = vector.multi_reduction <minimumf>, %min3A_630, %reduce_min3A_632 [1] : vector<512x128xf32> to vector<512xf32>
    %broadcast_in_dim3A_634 = vector.shape_cast %reduce_min3A_633 : vector<512xf32> to vector<512x1xf32>
    %eq3A_635 = vector.broadcast %broadcast_in_dim3A_634 : vector<512x1xf32> to vector<512x128xf32>
    %eq3A_636 = arith.cmpf oeq, %min3A_630, %eq3A_635 : vector<512x128xf32>
    %jit3A_637 = arith.constant 8.192000e+03 : f32
    %broadcast_in_dim3A_638 = vector.broadcast %jit3A_637 : f32 to vector<512x128xf32>
    %select_n3A_639 = arith.select %eq3A_636, %select_n3A_631, %broadcast_in_dim3A_638 : vector<512x128xi1>, vector<512x128xf32>
    %reduce_min3A_640 = arith.constant dense<0x7F800000> : vector<512xf32>
    %reduce_min3A_641 = vector.multi_reduction <minimumf>, %select_n3A_639, %reduce_min3A_640 [1] : vector<512x128xf32> to vector<512xf32>
    %broadcast_in_dim3A_642 = vector.shape_cast %reduce_min3A_641 : vector<512xf32> to vector<512x1xf32>
    %convert_element_type3A_643 = arith.fptosi %broadcast_in_dim3A_642 : vector<512x1xf32> to vector<512x1xi32>
    %add3A_644 = arith.constant 2736 : i32
    %add3A_645 = vector.broadcast %add3A_644 : i32 to vector<512x1xi32>
    %add3A_646 = arith.addi %convert_element_type3A_643, %add3A_645 : vector<512x1xi32>
    %get3A_647 = arith.constant 5632 : index
    %get3A_648 = arith.constant 0 : index
    %get3A_649 = vector.load %arg4[%get3A_647, %get3A_648] : memref<8448x256xbf16, #tpu.memory_space<vmem>>, vector<2816x256xbf16>
    %dot_general3A_650 = arith.constant dense<0.000000e+00> : vector<512x2816xf32>
    %dot_general3A_651 = tpu.matmul %convert_element_type3A, %get3A_649, %dot_general3A_650 {dimension_numbers = #tpu.dot_dimension_numbers<[1], [1], [0], [0], [0, 0, 1, 0], [], []>, transpose_lhs_hint = false} : vector<512x256xbf16>, vector<2816x256xbf16>, vector<512x2816xf32> -> vector<512x2816xf32>
    %get3A_652 = arith.constant 0 : index
    %get3A_653 = arith.constant 5632 : index
    %get3A_654 = vector.load %arg2[%get3A_652, %get3A_653] : memref<1x8448xf32, #tpu.memory_space<vmem>>, vector<1x128xf32>
    %slice3A_655 = vector.extract_strided_slice %dot_general3A_651 {offsets = [0, 0], sizes = [512, 128], strides = [1, 1]} : vector<512x2816xf32> to vector<512x128xf32>
    %sub3A_656 = vector.broadcast %get3A_6 : vector<512x1xf32> to vector<512x128xf32>
    %sub3A_657 = arith.subf %sub3A_656, %slice3A_655 : vector<512x128xf32>
    %add3A_658 = vector.broadcast %get3A_654 : vector<1x128xf32> to vector<512x128xf32>
    %add3A_659 = arith.addf %sub3A_657, %add3A_658 : vector<512x128xf32>
    %add3A_660 = arith.constant 0.000000e+00 : f32
    %add3A_661 = vector.broadcast %add3A_660 : f32 to vector<512x128xf32>
    %add3A_662 = arith.addf %convert_element_type3A_7, %add3A_661 : vector<512x128xf32>
    %get3A_663 = arith.constant 0 : index
    %get3A_664 = arith.constant 5760 : index
    %get3A_665 = vector.load %arg2[%get3A_663, %get3A_664] : memref<1x8448xf32, #tpu.memory_space<vmem>>, vector<1x128xf32>
    %slice3A_666 = vector.extract_strided_slice %dot_general3A_651 {offsets = [0, 128], sizes = [512, 128], strides = [1, 1]} : vector<512x2816xf32> to vector<512x128xf32>
    %sub3A_667 = vector.broadcast %get3A_6 : vector<512x1xf32> to vector<512x128xf32>
    %sub3A_668 = arith.subf %sub3A_667, %slice3A_666 : vector<512x128xf32>
    %add3A_669 = vector.broadcast %get3A_665 : vector<1x128xf32> to vector<512x128xf32>
    %add3A_670 = arith.addf %sub3A_668, %add3A_669 : vector<512x128xf32>
    %add3A_671 = arith.constant 1.280000e+02 : f32
    %add3A_672 = vector.broadcast %add3A_671 : f32 to vector<512x128xf32>
    %add3A_673 = arith.addf %convert_element_type3A_7, %add3A_672 : vector<512x128xf32>
    %lt3A_674 = arith.cmpf olt, %add3A_670, %add3A_659 : vector<512x128xf32>
    %min3A_675 = arith.minimumf %add3A_659, %add3A_670 : vector<512x128xf32>
    %select_n3A_676 = arith.select %lt3A_674, %add3A_673, %add3A_662 : vector<512x128xi1>, vector<512x128xf32>
    %get3A_677 = arith.constant 0 : index
    %get3A_678 = arith.constant 5888 : index
    %get3A_679 = vector.load %arg2[%get3A_677, %get3A_678] : memref<1x8448xf32, #tpu.memory_space<vmem>>, vector<1x128xf32>
    %slice3A_680 = vector.extract_strided_slice %dot_general3A_651 {offsets = [0, 256], sizes = [512, 128], strides = [1, 1]} : vector<512x2816xf32> to vector<512x128xf32>
    %sub3A_681 = vector.broadcast %get3A_6 : vector<512x1xf32> to vector<512x128xf32>
    %sub3A_682 = arith.subf %sub3A_681, %slice3A_680 : vector<512x128xf32>
    %add3A_683 = vector.broadcast %get3A_679 : vector<1x128xf32> to vector<512x128xf32>
    %add3A_684 = arith.addf %sub3A_682, %add3A_683 : vector<512x128xf32>
    %add3A_685 = arith.constant 2.560000e+02 : f32
    %add3A_686 = vector.broadcast %add3A_685 : f32 to vector<512x128xf32>
    %add3A_687 = arith.addf %convert_element_type3A_7, %add3A_686 : vector<512x128xf32>
    %lt3A_688 = arith.cmpf olt, %add3A_684, %min3A_675 : vector<512x128xf32>
    %min3A_689 = arith.minimumf %min3A_675, %add3A_684 : vector<512x128xf32>
    %select_n3A_690 = arith.select %lt3A_688, %add3A_687, %select_n3A_676 : vector<512x128xi1>, vector<512x128xf32>
    %get3A_691 = arith.constant 0 : index
    %get3A_692 = arith.constant 6016 : index
    %get3A_693 = vector.load %arg2[%get3A_691, %get3A_692] : memref<1x8448xf32, #tpu.memory_space<vmem>>, vector<1x128xf32>
    %slice3A_694 = vector.extract_strided_slice %dot_general3A_651 {offsets = [0, 384], sizes = [512, 128], strides = [1, 1]} : vector<512x2816xf32> to vector<512x128xf32>
    %sub3A_695 = vector.broadcast %get3A_6 : vector<512x1xf32> to vector<512x128xf32>
    %sub3A_696 = arith.subf %sub3A_695, %slice3A_694 : vector<512x128xf32>
    %add3A_697 = vector.broadcast %get3A_693 : vector<1x128xf32> to vector<512x128xf32>
    %add3A_698 = arith.addf %sub3A_696, %add3A_697 : vector<512x128xf32>
    %add3A_699 = arith.constant 3.840000e+02 : f32
    %add3A_700 = vector.broadcast %add3A_699 : f32 to vector<512x128xf32>
    %add3A_701 = arith.addf %convert_element_type3A_7, %add3A_700 : vector<512x128xf32>
    %lt3A_702 = arith.cmpf olt, %add3A_698, %min3A_689 : vector<512x128xf32>
    %min3A_703 = arith.minimumf %min3A_689, %add3A_698 : vector<512x128xf32>
    %select_n3A_704 = arith.select %lt3A_702, %add3A_701, %select_n3A_690 : vector<512x128xi1>, vector<512x128xf32>
    %get3A_705 = arith.constant 0 : index
    %get3A_706 = arith.constant 6144 : index
    %get3A_707 = vector.load %arg2[%get3A_705, %get3A_706] : memref<1x8448xf32, #tpu.memory_space<vmem>>, vector<1x128xf32>
    %slice3A_708 = vector.extract_strided_slice %dot_general3A_651 {offsets = [0, 512], sizes = [512, 128], strides = [1, 1]} : vector<512x2816xf32> to vector<512x128xf32>
    %sub3A_709 = vector.broadcast %get3A_6 : vector<512x1xf32> to vector<512x128xf32>
    %sub3A_710 = arith.subf %sub3A_709, %slice3A_708 : vector<512x128xf32>
    %add3A_711 = vector.broadcast %get3A_707 : vector<1x128xf32> to vector<512x128xf32>
    %add3A_712 = arith.addf %sub3A_710, %add3A_711 : vector<512x128xf32>
    %add3A_713 = arith.constant 5.120000e+02 : f32
    %add3A_714 = vector.broadcast %add3A_713 : f32 to vector<512x128xf32>
    %add3A_715 = arith.addf %convert_element_type3A_7, %add3A_714 : vector<512x128xf32>
    %lt3A_716 = arith.cmpf olt, %add3A_712, %min3A_703 : vector<512x128xf32>
    %min3A_717 = arith.minimumf %min3A_703, %add3A_712 : vector<512x128xf32>
    %select_n3A_718 = arith.select %lt3A_716, %add3A_715, %select_n3A_704 : vector<512x128xi1>, vector<512x128xf32>
    %get3A_719 = arith.constant 0 : index
    %get3A_720 = arith.constant 6272 : index
    %get3A_721 = vector.load %arg2[%get3A_719, %get3A_720] : memref<1x8448xf32, #tpu.memory_space<vmem>>, vector<1x128xf32>
    %slice3A_722 = vector.extract_strided_slice %dot_general3A_651 {offsets = [0, 640], sizes = [512, 128], strides = [1, 1]} : vector<512x2816xf32> to vector<512x128xf32>
    %sub3A_723 = vector.broadcast %get3A_6 : vector<512x1xf32> to vector<512x128xf32>
    %sub3A_724 = arith.subf %sub3A_723, %slice3A_722 : vector<512x128xf32>
    %add3A_725 = vector.broadcast %get3A_721 : vector<1x128xf32> to vector<512x128xf32>
    %add3A_726 = arith.addf %sub3A_724, %add3A_725 : vector<512x128xf32>
    %add3A_727 = arith.constant 6.400000e+02 : f32
    %add3A_728 = vector.broadcast %add3A_727 : f32 to vector<512x128xf32>
    %add3A_729 = arith.addf %convert_element_type3A_7, %add3A_728 : vector<512x128xf32>
    %lt3A_730 = arith.cmpf olt, %add3A_726, %min3A_717 : vector<512x128xf32>
    %min3A_731 = arith.minimumf %min3A_717, %add3A_726 : vector<512x128xf32>
    %select_n3A_732 = arith.select %lt3A_730, %add3A_729, %select_n3A_718 : vector<512x128xi1>, vector<512x128xf32>
    %get3A_733 = arith.constant 0 : index
    %get3A_734 = arith.constant 6400 : index
    %get3A_735 = vector.load %arg2[%get3A_733, %get3A_734] : memref<1x8448xf32, #tpu.memory_space<vmem>>, vector<1x128xf32>
    %slice3A_736 = vector.extract_strided_slice %dot_general3A_651 {offsets = [0, 768], sizes = [512, 128], strides = [1, 1]} : vector<512x2816xf32> to vector<512x128xf32>
    %sub3A_737 = vector.broadcast %get3A_6 : vector<512x1xf32> to vector<512x128xf32>
    %sub3A_738 = arith.subf %sub3A_737, %slice3A_736 : vector<512x128xf32>
    %add3A_739 = vector.broadcast %get3A_735 : vector<1x128xf32> to vector<512x128xf32>
    %add3A_740 = arith.addf %sub3A_738, %add3A_739 : vector<512x128xf32>
    %add3A_741 = arith.constant 7.680000e+02 : f32
    %add3A_742 = vector.broadcast %add3A_741 : f32 to vector<512x128xf32>
    %add3A_743 = arith.addf %convert_element_type3A_7, %add3A_742 : vector<512x128xf32>
    %lt3A_744 = arith.cmpf olt, %add3A_740, %min3A_731 : vector<512x128xf32>
    %min3A_745 = arith.minimumf %min3A_731, %add3A_740 : vector<512x128xf32>
    %select_n3A_746 = arith.select %lt3A_744, %add3A_743, %select_n3A_732 : vector<512x128xi1>, vector<512x128xf32>
    %get3A_747 = arith.constant 0 : index
    %get3A_748 = arith.constant 6528 : index
    %get3A_749 = vector.load %arg2[%get3A_747, %get3A_748] : memref<1x8448xf32, #tpu.memory_space<vmem>>, vector<1x128xf32>
    %slice3A_750 = vector.extract_strided_slice %dot_general3A_651 {offsets = [0, 896], sizes = [512, 128], strides = [1, 1]} : vector<512x2816xf32> to vector<512x128xf32>
    %sub3A_751 = vector.broadcast %get3A_6 : vector<512x1xf32> to vector<512x128xf32>
    %sub3A_752 = arith.subf %sub3A_751, %slice3A_750 : vector<512x128xf32>
    %add3A_753 = vector.broadcast %get3A_749 : vector<1x128xf32> to vector<512x128xf32>
    %add3A_754 = arith.addf %sub3A_752, %add3A_753 : vector<512x128xf32>
    %add3A_755 = arith.constant 8.960000e+02 : f32
    %add3A_756 = vector.broadcast %add3A_755 : f32 to vector<512x128xf32>
    %add3A_757 = arith.addf %convert_element_type3A_7, %add3A_756 : vector<512x128xf32>
    %lt3A_758 = arith.cmpf olt, %add3A_754, %min3A_745 : vector<512x128xf32>
    %min3A_759 = arith.minimumf %min3A_745, %add3A_754 : vector<512x128xf32>
    %select_n3A_760 = arith.select %lt3A_758, %add3A_757, %select_n3A_746 : vector<512x128xi1>, vector<512x128xf32>
    %get3A_761 = arith.constant 0 : index
    %get3A_762 = arith.constant 6656 : index
    %get3A_763 = vector.load %arg2[%get3A_761, %get3A_762] : memref<1x8448xf32, #tpu.memory_space<vmem>>, vector<1x128xf32>
    %slice3A_764 = vector.extract_strided_slice %dot_general3A_651 {offsets = [0, 1024], sizes = [512, 128], strides = [1, 1]} : vector<512x2816xf32> to vector<512x128xf32>
    %sub3A_765 = vector.broadcast %get3A_6 : vector<512x1xf32> to vector<512x128xf32>
    %sub3A_766 = arith.subf %sub3A_765, %slice3A_764 : vector<512x128xf32>
    %add3A_767 = vector.broadcast %get3A_763 : vector<1x128xf32> to vector<512x128xf32>
    %add3A_768 = arith.addf %sub3A_766, %add3A_767 : vector<512x128xf32>
    %add3A_769 = arith.constant 1.024000e+03 : f32
    %add3A_770 = vector.broadcast %add3A_769 : f32 to vector<512x128xf32>
    %add3A_771 = arith.addf %convert_element_type3A_7, %add3A_770 : vector<512x128xf32>
    %lt3A_772 = arith.cmpf olt, %add3A_768, %min3A_759 : vector<512x128xf32>
    %min3A_773 = arith.minimumf %min3A_759, %add3A_768 : vector<512x128xf32>
    %select_n3A_774 = arith.select %lt3A_772, %add3A_771, %select_n3A_760 : vector<512x128xi1>, vector<512x128xf32>
    %get3A_775 = arith.constant 0 : index
    %get3A_776 = arith.constant 6784 : index
    %get3A_777 = vector.load %arg2[%get3A_775, %get3A_776] : memref<1x8448xf32, #tpu.memory_space<vmem>>, vector<1x128xf32>
    %slice3A_778 = vector.extract_strided_slice %dot_general3A_651 {offsets = [0, 1152], sizes = [512, 128], strides = [1, 1]} : vector<512x2816xf32> to vector<512x128xf32>
    %sub3A_779 = vector.broadcast %get3A_6 : vector<512x1xf32> to vector<512x128xf32>
    %sub3A_780 = arith.subf %sub3A_779, %slice3A_778 : vector<512x128xf32>
    %add3A_781 = vector.broadcast %get3A_777 : vector<1x128xf32> to vector<512x128xf32>
    %add3A_782 = arith.addf %sub3A_780, %add3A_781 : vector<512x128xf32>
    %add3A_783 = arith.constant 1.152000e+03 : f32
    %add3A_784 = vector.broadcast %add3A_783 : f32 to vector<512x128xf32>
    %add3A_785 = arith.addf %convert_element_type3A_7, %add3A_784 : vector<512x128xf32>
    %lt3A_786 = arith.cmpf olt, %add3A_782, %min3A_773 : vector<512x128xf32>
    %min3A_787 = arith.minimumf %min3A_773, %add3A_782 : vector<512x128xf32>
    %select_n3A_788 = arith.select %lt3A_786, %add3A_785, %select_n3A_774 : vector<512x128xi1>, vector<512x128xf32>
    %get3A_789 = arith.constant 0 : index
    %get3A_790 = arith.constant 6912 : index
    %get3A_791 = vector.load %arg2[%get3A_789, %get3A_790] : memref<1x8448xf32, #tpu.memory_space<vmem>>, vector<1x128xf32>
    %slice3A_792 = vector.extract_strided_slice %dot_general3A_651 {offsets = [0, 1280], sizes = [512, 128], strides = [1, 1]} : vector<512x2816xf32> to vector<512x128xf32>
    %sub3A_793 = vector.broadcast %get3A_6 : vector<512x1xf32> to vector<512x128xf32>
    %sub3A_794 = arith.subf %sub3A_793, %slice3A_792 : vector<512x128xf32>
    %add3A_795 = vector.broadcast %get3A_791 : vector<1x128xf32> to vector<512x128xf32>
    %add3A_796 = arith.addf %sub3A_794, %add3A_795 : vector<512x128xf32>
    %add3A_797 = arith.constant 1.280000e+03 : f32
    %add3A_798 = vector.broadcast %add3A_797 : f32 to vector<512x128xf32>
    %add3A_799 = arith.addf %convert_element_type3A_7, %add3A_798 : vector<512x128xf32>
    %lt3A_800 = arith.cmpf olt, %add3A_796, %min3A_787 : vector<512x128xf32>
    %min3A_801 = arith.minimumf %min3A_787, %add3A_796 : vector<512x128xf32>
    %select_n3A_802 = arith.select %lt3A_800, %add3A_799, %select_n3A_788 : vector<512x128xi1>, vector<512x128xf32>
    %get3A_803 = arith.constant 0 : index
    %get3A_804 = arith.constant 7040 : index
    %get3A_805 = vector.load %arg2[%get3A_803, %get3A_804] : memref<1x8448xf32, #tpu.memory_space<vmem>>, vector<1x128xf32>
    %slice3A_806 = vector.extract_strided_slice %dot_general3A_651 {offsets = [0, 1408], sizes = [512, 128], strides = [1, 1]} : vector<512x2816xf32> to vector<512x128xf32>
    %sub3A_807 = vector.broadcast %get3A_6 : vector<512x1xf32> to vector<512x128xf32>
    %sub3A_808 = arith.subf %sub3A_807, %slice3A_806 : vector<512x128xf32>
    %add3A_809 = vector.broadcast %get3A_805 : vector<1x128xf32> to vector<512x128xf32>
    %add3A_810 = arith.addf %sub3A_808, %add3A_809 : vector<512x128xf32>
    %add3A_811 = arith.constant 1.408000e+03 : f32
    %add3A_812 = vector.broadcast %add3A_811 : f32 to vector<512x128xf32>
    %add3A_813 = arith.addf %convert_element_type3A_7, %add3A_812 : vector<512x128xf32>
    %lt3A_814 = arith.cmpf olt, %add3A_810, %min3A_801 : vector<512x128xf32>
    %min3A_815 = arith.minimumf %min3A_801, %add3A_810 : vector<512x128xf32>
    %select_n3A_816 = arith.select %lt3A_814, %add3A_813, %select_n3A_802 : vector<512x128xi1>, vector<512x128xf32>
    %get3A_817 = arith.constant 0 : index
    %get3A_818 = arith.constant 7168 : index
    %get3A_819 = vector.load %arg2[%get3A_817, %get3A_818] : memref<1x8448xf32, #tpu.memory_space<vmem>>, vector<1x128xf32>
    %slice3A_820 = vector.extract_strided_slice %dot_general3A_651 {offsets = [0, 1536], sizes = [512, 128], strides = [1, 1]} : vector<512x2816xf32> to vector<512x128xf32>
    %sub3A_821 = vector.broadcast %get3A_6 : vector<512x1xf32> to vector<512x128xf32>
    %sub3A_822 = arith.subf %sub3A_821, %slice3A_820 : vector<512x128xf32>
    %add3A_823 = vector.broadcast %get3A_819 : vector<1x128xf32> to vector<512x128xf32>
    %add3A_824 = arith.addf %sub3A_822, %add3A_823 : vector<512x128xf32>
    %add3A_825 = arith.constant 1.536000e+03 : f32
    %add3A_826 = vector.broadcast %add3A_825 : f32 to vector<512x128xf32>
    %add3A_827 = arith.addf %convert_element_type3A_7, %add3A_826 : vector<512x128xf32>
    %lt3A_828 = arith.cmpf olt, %add3A_824, %min3A_815 : vector<512x128xf32>
    %min3A_829 = arith.minimumf %min3A_815, %add3A_824 : vector<512x128xf32>
    %select_n3A_830 = arith.select %lt3A_828, %add3A_827, %select_n3A_816 : vector<512x128xi1>, vector<512x128xf32>
    %get3A_831 = arith.constant 0 : index
    %get3A_832 = arith.constant 7296 : index
    %get3A_833 = vector.load %arg2[%get3A_831, %get3A_832] : memref<1x8448xf32, #tpu.memory_space<vmem>>, vector<1x128xf32>
    %slice3A_834 = vector.extract_strided_slice %dot_general3A_651 {offsets = [0, 1664], sizes = [512, 128], strides = [1, 1]} : vector<512x2816xf32> to vector<512x128xf32>
    %sub3A_835 = vector.broadcast %get3A_6 : vector<512x1xf32> to vector<512x128xf32>
    %sub3A_836 = arith.subf %sub3A_835, %slice3A_834 : vector<512x128xf32>
    %add3A_837 = vector.broadcast %get3A_833 : vector<1x128xf32> to vector<512x128xf32>
    %add3A_838 = arith.addf %sub3A_836, %add3A_837 : vector<512x128xf32>
    %add3A_839 = arith.constant 1.664000e+03 : f32
    %add3A_840 = vector.broadcast %add3A_839 : f32 to vector<512x128xf32>
    %add3A_841 = arith.addf %convert_element_type3A_7, %add3A_840 : vector<512x128xf32>
    %lt3A_842 = arith.cmpf olt, %add3A_838, %min3A_829 : vector<512x128xf32>
    %min3A_843 = arith.minimumf %min3A_829, %add3A_838 : vector<512x128xf32>
    %select_n3A_844 = arith.select %lt3A_842, %add3A_841, %select_n3A_830 : vector<512x128xi1>, vector<512x128xf32>
    %get3A_845 = arith.constant 0 : index
    %get3A_846 = arith.constant 7424 : index
    %get3A_847 = vector.load %arg2[%get3A_845, %get3A_846] : memref<1x8448xf32, #tpu.memory_space<vmem>>, vector<1x128xf32>
    %slice3A_848 = vector.extract_strided_slice %dot_general3A_651 {offsets = [0, 1792], sizes = [512, 128], strides = [1, 1]} : vector<512x2816xf32> to vector<512x128xf32>
    %sub3A_849 = vector.broadcast %get3A_6 : vector<512x1xf32> to vector<512x128xf32>
    %sub3A_850 = arith.subf %sub3A_849, %slice3A_848 : vector<512x128xf32>
    %add3A_851 = vector.broadcast %get3A_847 : vector<1x128xf32> to vector<512x128xf32>
    %add3A_852 = arith.addf %sub3A_850, %add3A_851 : vector<512x128xf32>
    %add3A_853 = arith.constant 1.792000e+03 : f32
    %add3A_854 = vector.broadcast %add3A_853 : f32 to vector<512x128xf32>
    %add3A_855 = arith.addf %convert_element_type3A_7, %add3A_854 : vector<512x128xf32>
    %lt3A_856 = arith.cmpf olt, %add3A_852, %min3A_843 : vector<512x128xf32>
    %min3A_857 = arith.minimumf %min3A_843, %add3A_852 : vector<512x128xf32>
    %select_n3A_858 = arith.select %lt3A_856, %add3A_855, %select_n3A_844 : vector<512x128xi1>, vector<512x128xf32>
    %get3A_859 = arith.constant 0 : index
    %get3A_860 = arith.constant 7552 : index
    %get3A_861 = vector.load %arg2[%get3A_859, %get3A_860] : memref<1x8448xf32, #tpu.memory_space<vmem>>, vector<1x128xf32>
    %slice3A_862 = vector.extract_strided_slice %dot_general3A_651 {offsets = [0, 1920], sizes = [512, 128], strides = [1, 1]} : vector<512x2816xf32> to vector<512x128xf32>
    %sub3A_863 = vector.broadcast %get3A_6 : vector<512x1xf32> to vector<512x128xf32>
    %sub3A_864 = arith.subf %sub3A_863, %slice3A_862 : vector<512x128xf32>
    %add3A_865 = vector.broadcast %get3A_861 : vector<1x128xf32> to vector<512x128xf32>
    %add3A_866 = arith.addf %sub3A_864, %add3A_865 : vector<512x128xf32>
    %add3A_867 = arith.constant 1.920000e+03 : f32
    %add3A_868 = vector.broadcast %add3A_867 : f32 to vector<512x128xf32>
    %add3A_869 = arith.addf %convert_element_type3A_7, %add3A_868 : vector<512x128xf32>
    %lt3A_870 = arith.cmpf olt, %add3A_866, %min3A_857 : vector<512x128xf32>
    %min3A_871 = arith.minimumf %min3A_857, %add3A_866 : vector<512x128xf32>
    %select_n3A_872 = arith.select %lt3A_870, %add3A_869, %select_n3A_858 : vector<512x128xi1>, vector<512x128xf32>
    %get3A_873 = arith.constant 0 : index
    %get3A_874 = arith.constant 7680 : index
    %get3A_875 = vector.load %arg2[%get3A_873, %get3A_874] : memref<1x8448xf32, #tpu.memory_space<vmem>>, vector<1x128xf32>
    %slice3A_876 = vector.extract_strided_slice %dot_general3A_651 {offsets = [0, 2048], sizes = [512, 128], strides = [1, 1]} : vector<512x2816xf32> to vector<512x128xf32>
    %sub3A_877 = vector.broadcast %get3A_6 : vector<512x1xf32> to vector<512x128xf32>
    %sub3A_878 = arith.subf %sub3A_877, %slice3A_876 : vector<512x128xf32>
    %add3A_879 = vector.broadcast %get3A_875 : vector<1x128xf32> to vector<512x128xf32>
    %add3A_880 = arith.addf %sub3A_878, %add3A_879 : vector<512x128xf32>
    %add3A_881 = arith.constant 2.048000e+03 : f32
    %add3A_882 = vector.broadcast %add3A_881 : f32 to vector<512x128xf32>
    %add3A_883 = arith.addf %convert_element_type3A_7, %add3A_882 : vector<512x128xf32>
    %lt3A_884 = arith.cmpf olt, %add3A_880, %min3A_871 : vector<512x128xf32>
    %min3A_885 = arith.minimumf %min3A_871, %add3A_880 : vector<512x128xf32>
    %select_n3A_886 = arith.select %lt3A_884, %add3A_883, %select_n3A_872 : vector<512x128xi1>, vector<512x128xf32>
    %get3A_887 = arith.constant 0 : index
    %get3A_888 = arith.constant 7808 : index
    %get3A_889 = vector.load %arg2[%get3A_887, %get3A_888] : memref<1x8448xf32, #tpu.memory_space<vmem>>, vector<1x128xf32>
    %slice3A_890 = vector.extract_strided_slice %dot_general3A_651 {offsets = [0, 2176], sizes = [512, 128], strides = [1, 1]} : vector<512x2816xf32> to vector<512x128xf32>
    %sub3A_891 = vector.broadcast %get3A_6 : vector<512x1xf32> to vector<512x128xf32>
    %sub3A_892 = arith.subf %sub3A_891, %slice3A_890 : vector<512x128xf32>
    %add3A_893 = vector.broadcast %get3A_889 : vector<1x128xf32> to vector<512x128xf32>
    %add3A_894 = arith.addf %sub3A_892, %add3A_893 : vector<512x128xf32>
    %add3A_895 = arith.constant 2.176000e+03 : f32
    %add3A_896 = vector.broadcast %add3A_895 : f32 to vector<512x128xf32>
    %add3A_897 = arith.addf %convert_element_type3A_7, %add3A_896 : vector<512x128xf32>
    %lt3A_898 = arith.cmpf olt, %add3A_894, %min3A_885 : vector<512x128xf32>
    %min3A_899 = arith.minimumf %min3A_885, %add3A_894 : vector<512x128xf32>
    %select_n3A_900 = arith.select %lt3A_898, %add3A_897, %select_n3A_886 : vector<512x128xi1>, vector<512x128xf32>
    %get3A_901 = arith.constant 0 : index
    %get3A_902 = arith.constant 7936 : index
    %get3A_903 = vector.load %arg2[%get3A_901, %get3A_902] : memref<1x8448xf32, #tpu.memory_space<vmem>>, vector<1x128xf32>
    %slice3A_904 = vector.extract_strided_slice %dot_general3A_651 {offsets = [0, 2304], sizes = [512, 128], strides = [1, 1]} : vector<512x2816xf32> to vector<512x128xf32>
    %sub3A_905 = vector.broadcast %get3A_6 : vector<512x1xf32> to vector<512x128xf32>
    %sub3A_906 = arith.subf %sub3A_905, %slice3A_904 : vector<512x128xf32>
    %add3A_907 = vector.broadcast %get3A_903 : vector<1x128xf32> to vector<512x128xf32>
    %add3A_908 = arith.addf %sub3A_906, %add3A_907 : vector<512x128xf32>
    %add3A_909 = arith.constant 2.304000e+03 : f32
    %add3A_910 = vector.broadcast %add3A_909 : f32 to vector<512x128xf32>
    %add3A_911 = arith.addf %convert_element_type3A_7, %add3A_910 : vector<512x128xf32>
    %lt3A_912 = arith.cmpf olt, %add3A_908, %min3A_899 : vector<512x128xf32>
    %min3A_913 = arith.minimumf %min3A_899, %add3A_908 : vector<512x128xf32>
    %select_n3A_914 = arith.select %lt3A_912, %add3A_911, %select_n3A_900 : vector<512x128xi1>, vector<512x128xf32>
    %get3A_915 = arith.constant 0 : index
    %get3A_916 = arith.constant 8064 : index
    %get3A_917 = vector.load %arg2[%get3A_915, %get3A_916] : memref<1x8448xf32, #tpu.memory_space<vmem>>, vector<1x128xf32>
    %slice3A_918 = vector.extract_strided_slice %dot_general3A_651 {offsets = [0, 2432], sizes = [512, 128], strides = [1, 1]} : vector<512x2816xf32> to vector<512x128xf32>
    %sub3A_919 = vector.broadcast %get3A_6 : vector<512x1xf32> to vector<512x128xf32>
    %sub3A_920 = arith.subf %sub3A_919, %slice3A_918 : vector<512x128xf32>
    %add3A_921 = vector.broadcast %get3A_917 : vector<1x128xf32> to vector<512x128xf32>
    %add3A_922 = arith.addf %sub3A_920, %add3A_921 : vector<512x128xf32>
    %add3A_923 = arith.constant 2.432000e+03 : f32
    %add3A_924 = vector.broadcast %add3A_923 : f32 to vector<512x128xf32>
    %add3A_925 = arith.addf %convert_element_type3A_7, %add3A_924 : vector<512x128xf32>
    %lt3A_926 = arith.cmpf olt, %add3A_922, %min3A_913 : vector<512x128xf32>
    %min3A_927 = arith.minimumf %min3A_913, %add3A_922 : vector<512x128xf32>
    %select_n3A_928 = arith.select %lt3A_926, %add3A_925, %select_n3A_914 : vector<512x128xi1>, vector<512x128xf32>
    %get3A_929 = arith.constant 0 : index
    %get3A_930 = arith.constant 8192 : index
    %get3A_931 = vector.load %arg2[%get3A_929, %get3A_930] : memref<1x8448xf32, #tpu.memory_space<vmem>>, vector<1x128xf32>
    %slice3A_932 = vector.extract_strided_slice %dot_general3A_651 {offsets = [0, 2560], sizes = [512, 128], strides = [1, 1]} : vector<512x2816xf32> to vector<512x128xf32>
    %sub3A_933 = vector.broadcast %get3A_6 : vector<512x1xf32> to vector<512x128xf32>
    %sub3A_934 = arith.subf %sub3A_933, %slice3A_932 : vector<512x128xf32>
    %add3A_935 = vector.broadcast %get3A_931 : vector<1x128xf32> to vector<512x128xf32>
    %add3A_936 = arith.addf %sub3A_934, %add3A_935 : vector<512x128xf32>
    %add3A_937 = arith.constant 2.560000e+03 : f32
    %add3A_938 = vector.broadcast %add3A_937 : f32 to vector<512x128xf32>
    %add3A_939 = arith.addf %convert_element_type3A_7, %add3A_938 : vector<512x128xf32>
    %lt3A_940 = arith.cmpf olt, %add3A_936, %min3A_927 : vector<512x128xf32>
    %min3A_941 = arith.minimumf %min3A_927, %add3A_936 : vector<512x128xf32>
    %select_n3A_942 = arith.select %lt3A_940, %add3A_939, %select_n3A_928 : vector<512x128xi1>, vector<512x128xf32>
    %get3A_943 = arith.constant 0 : index
    %get3A_944 = arith.constant 8320 : index
    %get3A_945 = vector.load %arg2[%get3A_943, %get3A_944] : memref<1x8448xf32, #tpu.memory_space<vmem>>, vector<1x128xf32>
    %slice3A_946 = vector.extract_strided_slice %dot_general3A_651 {offsets = [0, 2688], sizes = [512, 128], strides = [1, 1]} : vector<512x2816xf32> to vector<512x128xf32>
    %sub3A_947 = vector.broadcast %get3A_6 : vector<512x1xf32> to vector<512x128xf32>
    %sub3A_948 = arith.subf %sub3A_947, %slice3A_946 : vector<512x128xf32>
    %add3A_949 = vector.broadcast %get3A_945 : vector<1x128xf32> to vector<512x128xf32>
    %add3A_950 = arith.addf %sub3A_948, %add3A_949 : vector<512x128xf32>
    %add3A_951 = arith.constant 2.688000e+03 : f32
    %add3A_952 = vector.broadcast %add3A_951 : f32 to vector<512x128xf32>
    %add3A_953 = arith.addf %convert_element_type3A_7, %add3A_952 : vector<512x128xf32>
    %lt3A_954 = arith.cmpf olt, %add3A_950, %min3A_941 : vector<512x128xf32>
    %min3A_955 = arith.minimumf %min3A_941, %add3A_950 : vector<512x128xf32>
    %select_n3A_956 = arith.select %lt3A_954, %add3A_953, %select_n3A_942 : vector<512x128xi1>, vector<512x128xf32>
    %reduce_min3A_957 = arith.constant dense<0x7F800000> : vector<512xf32>
    %reduce_min3A_958 = vector.multi_reduction <minimumf>, %min3A_955, %reduce_min3A_957 [1] : vector<512x128xf32> to vector<512xf32>
    %broadcast_in_dim3A_959 = vector.shape_cast %reduce_min3A_958 : vector<512xf32> to vector<512x1xf32>
    %eq3A_960 = vector.broadcast %broadcast_in_dim3A_959 : vector<512x1xf32> to vector<512x128xf32>
    %eq3A_961 = arith.cmpf oeq, %min3A_955, %eq3A_960 : vector<512x128xf32>
    %jit3A_962 = arith.constant 8.192000e+03 : f32
    %broadcast_in_dim3A_963 = vector.broadcast %jit3A_962 : f32 to vector<512x128xf32>
    %select_n3A_964 = arith.select %eq3A_961, %select_n3A_956, %broadcast_in_dim3A_963 : vector<512x128xi1>, vector<512x128xf32>
    %reduce_min3A_965 = arith.constant dense<0x7F800000> : vector<512xf32>
    %reduce_min3A_966 = vector.multi_reduction <minimumf>, %select_n3A_964, %reduce_min3A_965 [1] : vector<512x128xf32> to vector<512xf32>
    %broadcast_in_dim3A_967 = vector.shape_cast %reduce_min3A_966 : vector<512xf32> to vector<512x1xf32>
    %convert_element_type3A_968 = arith.fptosi %broadcast_in_dim3A_967 : vector<512x1xf32> to vector<512x1xi32>
    %add3A_969 = arith.constant 5472 : i32
    %add3A_970 = vector.broadcast %add3A_969 : i32 to vector<512x1xi32>
    %add3A_971 = arith.addi %convert_element_type3A_968, %add3A_970 : vector<512x1xi32>
    %convert_element_type3A_972 = arith.truncf %broadcast_in_dim3A : vector<512x1xf32> to vector<512x1xbf16>
    %convert_element_type3A_973 = arith.extf %convert_element_type3A_972 : vector<512x1xbf16> to vector<512x1xf32>
    %lt3A_974 = arith.cmpf olt, %broadcast_in_dim3A_634, %convert_element_type3A_973 : vector<512x1xf32>
    %select_n3A_975 = arith.select %lt3A_974, %broadcast_in_dim3A_634, %convert_element_type3A_973 : vector<512x1xi1>, vector<512x1xf32>
    %convert_element_type3A_976 = arith.truncf %select_n3A_975 : vector<512x1xf32> to vector<512x1xbf16>
    %convert_element_type3A_977 = arith.extf %convert_element_type3A_976 : vector<512x1xbf16> to vector<512x1xf32>
    %select_n3A_978 = arith.select %lt3A_974, %add3A_646, %add3A_321 : vector<512x1xi1>, vector<512x1xi32>
    %lt3A_979 = arith.cmpf olt, %broadcast_in_dim3A_959, %convert_element_type3A_977 : vector<512x1xf32>
    %select_n3A_980 = arith.select %lt3A_979, %add3A_971, %select_n3A_978 : vector<512x1xi1>, vector<512x1xi32>
    %swap3A = arith.constant 0 : index
    %swap3A_981 = arith.constant 0 : index
    %swap3A_982 = vector.load %arg5[%swap3A, %swap3A_981] : memref<512x1xi32, #tpu.memory_space<vmem>>, vector<512x1xi32>
    tpu.vector_store %arg5[%swap3A, %swap3A_981], %select_n3A_980 {strides = array<i32>} : memref<512x1xi32, #tpu.memory_space<vmem>>, vector<512x1xi32>,
    return
  }
  func.func @transform_0(%arg0: i32) -> (i32, i32) {
    %c0_i32 = arith.constant 0 : i32
    %c0_i32_0 = arith.constant 0 : i32
    return %arg0, %c0_i32 : i32, i32
  }
  func.func @transform_1(%arg0: i32) -> (i32, i32) {
    %c0_i32 = arith.constant 0 : i32
    %c0_i32_0 = arith.constant 0 : i32
    %c0_i32_1 = arith.constant 0 : i32
    return %c0_i32, %c0_i32_0 : i32, i32
  }
  func.func @transform_2(%arg0: i32) -> (i32, i32) {
    %c0_i32 = arith.constant 0 : i32
    %c0_i32_0 = arith.constant 0 : i32
    return %arg0, %c0_i32 : i32, i32
  }
  func.func @transform_3(%arg0: i32) -> (i32, i32) {
    %c0_i32 = arith.constant 0 : i32
    %c0_i32_0 = arith.constant 0 : i32
    %c0_i32_1 = arith.constant 0 : i32
    return %c0_i32, %c0_i32_0 : i32, i32
  }
  func.func @transform_4(%arg0: i32) -> (i32, i32) {
    %c0_i32 = arith.constant 0 : i32
    %c0_i32_0 = arith.constant 0 : i32
    return %arg0, %c0_i32 : i32, i32
  }
}

</mosaic_0001>

<sc_bundles>
// kernel: kernel.4.cloned.1.call-start
scs
__scs_entry_jumppad:
0x0: {  	(pc) =	sbr.rel $0x88, $3  }
0x1: {  	(tag) =	ssettag $0x0;
	lr =	simm.s32 $0x1  }
0x2: {  	[smem:$0x3F9F] =	sst lr;
	_ =	strace $0xD0000000  }
0x3: {  	_ = 	snop  }
0x4: {  	_ = 	snop  }
0x5: {  	_ = 	snop  }
0x6: {  	_ = 	snop  }
0x7: {  	_ = 	snop  }
__scs_overlays_trampoline_lowered:
0x8: {  	[smem:$0x3FAE] =	sst s0  }
0x9: {  	[smem:$0x3FAF] =	sst s1  }
0xa: {  	[smem:$0x3FB0] =	sst s2  }
0xb: {  	[smem:$0x3FB1] =	sst s3  }
0xc: {  	[smem:$0x3FB2] =	sst s4  }
0xd: {  	[smem:$0x3FB3] =	sst s5  }
0xe: {  	[smem:$0x3FB4] =	sst s6  }
0xf: {  	[smem:$0x3FB5] =	sst s7  }
0x10: {  	[smem:$0x3FB6] =	sst s8  }
0x11: {  	[smem:$0x3FB7] =	sst s9;
	s0 =	simm.s32 @!p0 $0x0  }
0x12: {  	s1 =	sld [smem:$0x3F9D];
	s0 =	simm.s32 @p0 $0x1  }
0x13: {  	[smem:$0x3FB8] =	sst s0;
	s0 =	simm.s32 @!p1 $0x0  }
0x14: {  	s2 =	sld [smem:$0x3F9C];
	s0 =	simm.s32 @p1 $0x1  }
0x15: {  	[smem:$0x3FB9] =	sst s0;
	s0 =	simm.s32 @!p2 $0x0  }
0x16: {  	s3 =	sld [smem:$0x3FDB];
	s0 =	simm.s32 @p2 $0x1  }
0x17: {  	s4 =	simm.s32 $0x1BF5;
	[smem:$0x3FBB] =	sst s0  }
0x18: {  	s0 =	sld [smem:$0x3F9E];
	_ =	swait.ge [sflag:s4], $0x0  }
0x19: {  	s7 =	sld [smem:$0x3F9F]  }
0x1a: {  	s8 =	sadd.s32 $0xFFFFE003, lr  }
0x1b: {  	s9 =	sadd.s32 $0xFFFFFEF7, lr;
	s5 =	simm.s32 $0xFFFFFFFF;
	p2 =	slt.u32 s8, $0xFFFFF086  }
0x1c: {  	p1 =	slt.u32 s9, $0xF7A;
	s5 =	simm.s32 @!p2 $0x0  }
0x1d: {  	s5 =	simm.s32 @p1 $0x1;
	p0 =	seq.s32 s7, s2  }
0x1e: {  	s7 =	smul.u32 @!p0 $0xF7A, s2;
	p2 =	seq.s32 @!p0 s5, $0x0  }
0x1f: {  	s9 =	smul.u32 $0xF7A, s1;
	s8 =	simm.s32 @!p0 $0x1BF5;
	p2 =	por !p2, p0  }
0x20: {  	[sflag:s8] =	ssyncset.s32 @!p0 $0xFFFFF086;
	s6 =	sadd.s32 @!p0 s3, s7;
	s7 =	simm.s32 @!p0 $0x108  }
0x21: {  	s3 =	sadd.s32 s3, s9;
	s6 =	sadd.s32 @!p0 $0x88, s6;
	s7 =	simm.s32 @p2 $0x1082  }
0x22: {  	[simem:s7], [sflag:s8] =	dma.local @!p0 [hbm:s6], $0xF7A  }
0x23: {  	s9 =	sor.u32 $0xD0000000, s2;
	s6 =	simm.s32 $0x108;
	_ =	swait.ge @!p0 [sflag:s8], $0x0  }
0x24: {  	s3 =	sadd.s32 $0x88, s3;
	s6 =	simm.s32 @!p1 $0x1082;
	[sflag:s4] =	ssyncset.s32 $0xFFFFF086  }
0x25: {  	[simem:s6], [sflag:s4] =	dma.local [hbm:s3], $0xF7A  }
0x26: {  	[smem:$0x3F9F] =	sst s1;
	(tag) =	ssettag s2;
	_ =	strace s9  }
0x27: {  	s1 =	sld [smem:$0x3FAF]  }
0x28: {  	s2 =	sld [smem:$0x3FB0]  }
0x29: {  	s4 =	sld [smem:$0x3FB2]  }
0x2a: {  	p0 =	seq.s32 s5, $0x0;
	s5 =	sld [smem:$0x3FB3]  }
0x2b: {  	s6 =	sld [smem:$0x3FB4]  }
0x2c: {  	s7 =	sld [smem:$0x3FB5]  }
0x2d: {  	s3 =	simm.s32 $0x108;
	s8 =	sld [smem:$0x3FB6]  }
0x2e: {  	s3 =	simm.s32 @!p0 $0x1082;
	s9 =	sld [smem:$0x3FB7]  }
0x2f: {  	lr =	sadd.s32 s0, s3;
	s0 =	sld [smem:$0x3FAE]  }
0x30: {  	s3 =	sld [smem:$0x3FB1]  }
0x31: {  	[smem:$0x3FBA] =	sst s10  }
0x32: {  	s10 =	sld [smem:$0x3FB8];
	_ =	sdelay $0x3  }
0x33: {  	p0 =	seq.s32 s10, $0x1;
	s10 =	sld [smem:$0x3FBA];
	_ =	sdelay $0x3  }
0x34: {  	[smem:$0x3FBA] =	sst s10  }
0x35: {  	s10 =	sld [smem:$0x3FB9];
	_ =	sdelay $0x3  }
0x36: {  	p1 =	seq.s32 s10, $0x1;
	s10 =	sld [smem:$0x3FBA];
	_ =	sdelay $0x3  }
0x37: {  	[smem:$0x3FBA] =	sst s10  }
0x38: {  	s10 =	sld [smem:$0x3FBB]  }
0x39: {  	_ = 	snop;
	(pc) =	sbr.ind lr, $3  }
0x3a: {  	_ = 	snop  }
0x3b: {  	_ = 	snop  }
0x3c: {  	p2 =	seq.s32 s10, $0x1;
	s10 =	sld [smem:$0x3FBA]  }
0x3d: {  	_ =	shalt  }
0x3e: {  	_ =	shalt  }
0x3f: {  	_ =	shalt  }
0x40: {  	_ =	shalt  }
0x41: {  	_ =	shalt  }
0x42: {  	_ =	shalt  }
0x43: {  	_ =	shalt  }
0x44: {  	_ =	shalt  }
0x45: {  	_ =	shalt  }
0x46: {  	_ =	shalt  }
0x47: {  	_ =	shalt  }
0x48: {  	_ =	shalt  }
0x49: {  	_ =	shalt  }
0x4a: {  	_ =	shalt  }
0x4b: {  	_ =	shalt  }
0x4c: {  	_ =	shalt  }
0x4d: {  	_ =	shalt  }
0x4e: {  	_ =	shalt  }
0x4f: {  	_ =	shalt  }
0x50: {  	_ =	shalt  }
0x51: {  	_ =	shalt  }
0x52: {  	_ =	shalt  }
0x53: {  	_ =	shalt  }
0x54: {  	_ =	shalt  }
0x55: {  	_ =	shalt  }
0x56: {  	_ =	shalt  }
0x57: {  	_ =	shalt  }
0x58: {  	_ =	shalt  }
0x59: {  	_ =	shalt  }
0x5a: {  	_ =	shalt  }
0x5b: {  	_ =	shalt  }
0x5c: {  	_ =	shalt  }
0x5d: {  	_ =	shalt  }
0x5e: {  	_ =	shalt  }
0x5f: {  	_ =	shalt  }
0x60: {  	_ =	shalt  }
0x61: {  	_ =	shalt  }
0x62: {  	_ =	shalt  }
0x63: {  	_ =	shalt  }
0x64: {  	_ =	shalt  }
0x65: {  	_ =	shalt  }
0x66: {  	_ =	shalt  }
0x67: {  	_ =	shalt  }
0x68: {  	_ =	shalt  }
0x69: {  	_ =	shalt  }
0x6a: {  	_ =	shalt  }
0x6b: {  	_ =	shalt  }
0x6c: {  	_ =	shalt  }
0x6d: {  	_ =	shalt  }
0x6e: {  	_ =	shalt  }
0x6f: {  	_ =	shalt  }
0x70: {  	_ =	shalt  }
0x71: {  	_ =	shalt  }
0x72: {  	_ =	shalt  }
0x73: {  	_ =	shalt  }
0x74: {  	_ =	shalt  }
0x75: {  	_ =	shalt  }
0x76: {  	_ =	shalt  }
0x77: {  	_ =	shalt  }
0x78: {  	_ =	shalt  }
0x79: {  	_ =	shalt  }
0x7a: {  	_ =	shalt  }
0x7b: {  	_ =	shalt  }
0x7c: {  	_ =	shalt  }
0x7d: {  	_ =	shalt  }
0x7e: {  	_ =	shalt  }
0x7f: {  	_ =	shalt  }
0x80: {  	_ =	shalt  }
0x81: {  	_ =	shalt  }
0x82: {  	_ =	shalt  }
0x83: {  	_ =	shalt  }
0x84: {  	_ =	shalt  }
0x85: {  	_ =	shalt  }
0x86: {  	_ =	shalt  }
0x87: {  	_ =	shalt  }
.Lfunc_end0:
.L_simem_size_0:
called_computation_lowered:
.L_overlay_start_0:
0x88: {  	s2 =	sld [smem:$0x3FD9]  }
0x89: {  	s3 =	sld [smem:$0x3FFE];
	_ =	sdelay $0x1  }
0x8a: {  	s1 =	srdreg.scid  }
0x8b: {  	s0 =	sand.u32 $0x1, s1  }
0x8c: {  	s17 =	sshll.u32 s0, $0xA;
	s2 =	sadd.s32 s3, s2  }
0x8d: {  	s2 =	sadd.s32 s2, s17  }
0x8e: {  	[smem:$0x3FC6] =	sst s2  }
0x8f: {  	_ = 	snop  }
0x90: {  	s2 =	sld [smem:$0x3FC8]  }
0x91: {  	s18 =	sld [smem:$0x3FD0];
	(tm) =	ssettm $0x1  }
0x92: {  	s4 =	sld [smem:$0x3FFB];
	_ =	sdelay $0x3  }
0x93: {  	_ =	strace s4  }
0x94: {  	s4 =	sld [smem:$0x3FFC];
	_ =	sdelay $0x3  }
0x95: {  	_ =	strace s4  }
0x96: {  	s4 =	sld [smem:$0x3FFD];
	_ =	sdelay $0x3  }
0x97: {  	_ =	strace s4  }
0x98: {  	_ =	strace $0x8FFFFFFF  }
0x99: {  	s19 =	sld [smem:$0x3FDB];
	_ =	sdelay $0x1  }
0x9a: {  	s5 =	simm.s32 $_scs_section_size  }
0x9b: {  	s6 =	simm.s32 $_size__tile_overlayer_lowered;
	s7 =	simm.s32 $_tile_overlayer_lowered  }
0x9c: {  	s22 =	simm.s32 $0x1BFF;
	s21 =	sshll.u32 s7, $0x1;
	s4 =	sadd.s32 s5, s19  }
0x9d: {  	s8 =	simm.s32 $0x0;
	s20 =	sshll.u32 s6, $0x1;
	s6 =	sadd.s32 s21, s4  }
0x9e: {  	[timem:s8], [sflag:s22] =	dma.local [hbm:s6], s20  }
0x9f: {  	_ =	swait.ge [sflag:s22], s20  }
0xa0: {  	s5 =	ssub.s32 $0x0, s20;
	[sflag:s22] =	ssyncset.done $0x0  }
0xa1: {  	[sflag:s22] =	ssyncadd.s32 s5;
	_ =	sdelay $0x1  }
0xa2: {  	s23 =	simm.s32 $0x1B8B  }
0xa3: {  	_ =	swait.ge [sflag:s23], $0x1  }
0xa4: {  	[sflag:s23] =	ssyncset.done $0x0  }
0xa5: {  	s25 =	simm.s32 $0x1B8E;
	s24 =	sld [smem:$0x3FFE];
	[sflag:s23] =	ssyncadd.s32 $0xFFFFFFFF  }
0xa6: {  	s26 =	simm.s32 $execute0_lowered;
	[smem:$0x3FD2] =	sst s25  }
0xa7: {  	s6 =	sshll.u32 s26, $0x1;
	_ =	strace $0x80000046;
	[dreg:$0x1] =	wrdreg $0xFFFFFFFF  }
0xa8: {  	s28 =	simm.s32 $_size_execute0_lowered;
	s4 =	sadd.s32 s4, s6;
	[dreg:$0x0] =	wrdreg $0x0  }
0xa9: {  	s6 =	sshll.u32 s28, $0x1;
	[dreg:$0x2] =	wrdreg s4  }
0xaa: {  	[dreg:$0x3] =	wrdreg s6  }
0xab: {  	[dreg:$0x4] =	wrdreg $0xC0  }
0xac: {  	_ =	task [dreg:s8], $0x5FFFF  }
0xad: {  	[dreg:$0x1] =	wrdreg $0xFFFFFFFF  }
0xae: {  	[dreg:$0x0] =	wrdreg $0x60  }
0xaf: {  	[dreg:$0x2] =	wrdreg s24  }
0xb0: {  	[dreg:$0x3] =	wrdreg s2  }
0xb1: {  	[dreg:$0x4] =	wrdreg s18  }
0xb2: {  	[dreg:$0x5] =	wrdreg $0x9  }
0xb3: {  	_ =	task.clear_ibuf [dreg:s8], $0x6FFFF;
	_ =	strace $0x90000046  }
0xb4: {  	s29 =	simm.s32 $0x9;
	_ =	strace $0x80000048  }
0xb5: {  	_ =	swait.ge [sflag:s29], $0x1  }
0xb6: {  	[sflag:s29] =	ssyncadd.s32 $0xFFFFFFFF  }
0xb7: {  	_ =	strace $0x90000048  }
0xb8: {  	_ =	sfence  }
0xb9: {  	s30 =	sld [smem:$0x0];
	_ =	sdelay $0x2  }
0xba: {  	s31 =	sshll.u32 s1, $0xD;
	s1 =	sshrl.u32 s1, $0x2  }
0xbb: {  	s3 =	sand.u32 $0x4000, s31;
	s1 =	sadd.s32 s1, s30  }
0xbc: {  	s0 =	sor.u32 s3, s0;
	s1 =	sshll.u32 s1, $0x11  }
0xbd: {  	s0 =	sor.u32 s1, s0  }
0xbe: {  	s0 =	sadd.s32 $0x8F2B, s0  }
0xbf: {  	[sflag:s0] =	ssyncadd.remote.s32 $0x1  }
0xc0: {  	_ =	sfence.sel $0xFFFF  }
0xc1: {  	[dreg:$0x0] =	wrdreg $0xFFFFFFFF;
	(pc) =	sbr.abs _section_cstart, $3  }
0xc2: {  	[dreg:$0x1] =	wrdreg $0xFFFFFFFF  }
0xc3: {  	_ =	task.clear_ibuf [dreg:s8], $0x2FFFF;
	_ =	strace $0x9FFFFFFF  }
0xc4: {  	(tm) =	ssettm $0x7FFFFFFF  }
0xc5: {  	_ =	shalt  }
tec
execute0_lowered:
.L_overlay_start_1:
0x0: {  	(tag) =	ssettag $0x1  }
0x1: {  	s0 =	rddreg [dreg:$0x0]  }
0x2: {  	s1 =	srdreg.scid;
	s2 =	rddreg [dreg:$0x1]  }
0x3: {  	s3 =	stileid.u32;
	s4 =	rddreg [dreg:$0x2];
	s15 =	simm.s32 $0x2  }
0x4: {  	s17 =	simm.s32 $0x1200;
	s18 =	simm.s32 $0x1A00;
	s19 =	simm.s32 $0x2200  }
0x5: {  	s20 =	simm.s32 $0x2A00;
	s21 =	simm.s32 $0x3200;
	s22 =	simm.s32 $0x3A00  }
0x6: {  	s28 =	simm.s32 $0x5A00;
	s29 =	simm.s32 $0x6200;
	s30 =	simm.s32 $0x6A00  }
0x7: {  	s31 =	simm.s32 $0x7200;
	s8 =	simm.s32 $0x9200;
	s9 =	simm.s32 $0x9A00  }
0x8: {  	s10 =	simm.s32 $0xA200;
	s11 =	simm.s32 $0xAA00;
	s1 =	sand.u32 $0x1, s1  }
0x9: {  	s13 =	simm.s32 $0xBA00;
	s5 =	sshll.u32 s3, $0xA;
	s6 =	sshll.u32 s1, $0x9  }
0xa: {  	s14 =	simm.s32 $0x200;
	s3 =	simm.s32 $0x0;
	s5 =	sor.u32 s6, s5  }
0xb: {  	[smem:$0x7FF] =	sst s3;
	s1 =	ssub.s32 $0x2, s1;
	s6 =	sshrl.u32 s5, $0x3  }
0xc: {  	_ =	strace $0x80000047;
	s5 =	sshll.u32 s5, $0x5;
	s0 =	sadd.s32 s0, s6  }
0xd: {  	s25 =	sshrl.u32 s1, $0x1;
	s4 =	sadd.s32 s4, s5;
	[dreg:$0x4] =	wrdreg s0  }
0xe: {  	s1 =	ssub.s32 s1, s25;
	s23 =	sadd.s32 $0x1000, s4;
	[dreg:$0x8] =	wrdreg s4  }
0xf: {  	s25 =	simm.s32 $0x4A00;
	s24 =	sadd.s32 $0x2000, s4;
	[dreg:$0x5] =	wrdreg s23  }
0x10: {  	v2 =	vlaneseq.u32;
	s5 =	smax.u32 s1, $0x1;
	s26 =	sadd.s32 $0x3000, s4;
	[dreg:$0x6] =	wrdreg s24  }
0x11: {  	vm0 =	vmmov $0xffff;
	v1 =	vshrl.u32 v2, $0x3;
	s6 =	simm.s32 $0x3;
	s4 =	simm.s32 $0x1;
	[dreg:$0x7] =	wrdreg s26  }
0x12: {  	v0 =	vand.u32 $0x7, v2;
	v2 =	vor.u32 $0x8, v2;
	v1 =	vmul.u32 $0x8, v1;
	s24 =	simm.s32 $0x4200;
	s26 =	simm.s32 $0x5200;
	s23 =	simm.s32 $0x8A00  }
.LBB2_1:
0x13: {  	s16 =	rddreg [dreg:$0x4]  }
0x14: {  	[tilespmem:s3], [sflag:$0x3] =	stream.linear.gather [hbm4b:s16+s3], $0x200, $0x38;
	[tilespmem:$0x10200] =	vst v63  }
0x15: {  	_ =	swait.ge [sflag:s6], $0x200  }
0x16: {  	[sflag:s6] =	ssyncset.done $0x0  }
0x17: {  	[sflag:s6] =	ssyncadd.s32 $0xFFFFFE00  }
0x18: {  	v3 =	vld [tilespmem:$0x0];
	_ =	sdelay $0x4  }
0x19: {  	v4 =	vshll.u32 v3, $0x1  }
0x1a: {  	v3 =	vand.u32 $0x7, v3;
	v4 =	vand.u32 $0xFFFFFFF0, v4  }
0x1b: {  	v3 =	vor.u32 v3, v4  }
0x1c: {  	v4 =	vperm.xlane v3, v0;
	_ =	sdelay $0x1  }
0x1d: {  	v3 =	vperm.xlane v3, v2;
	v4 =	vadd.s32 v1, v4;
	_ =	sdelay $0x1  }
0x1e: {  	v3 =	vadd.s32 v1, v3;
	_ =	sdelay $0x1  }
0x1f: {  	s0 =	simm.s32 $0x200  }
0x20: {  	[tilespmem:s0], [sflag:$0x1] =	stream.indirect_vreg.gather [hbm4b:s2+s3], $0x80, v4, vm0, $0xb8;
	[tilespmem:$0x10200] =	vst v63  }
0x21: {  	s16 =	simm.s32 $0xA00  }
0x22: {  	[tilespmem:s16], [sflag:$0x1] =	stream.indirect_vreg.gather [hbm4b:s2+s3], $0x80, v3, vm0, $0xb8;
	[tilespmem:$0x10200] =	vst v63  }
0x23: {  	v3 =	vld [tilespmem:$0x10];
	_ =	sdelay $0x4  }
0x24: {  	v33 =	vshll.u32 v3, $0x1  }
0x25: {  	v3 =	vand.u32 $0x7, v3;
	v4 =	vand.u32 $0xFFFFFFF0, v33  }
0x26: {  	v3 =	vor.u32 v3, v4  }
0x27: {  	v4 =	vperm.xlane v3, v0;
	_ =	sdelay $0x1  }
0x28: {  	v3 =	vperm.xlane v3, v2;
	v4 =	vadd.s32 v1, v4;
	_ =	sdelay $0x1  }
0x29: {  	v3 =	vadd.s32 v1, v3;
	_ =	sdelay $0x2  }
0x2a: {  	[tilespmem:s17], [sflag:$0x1] =	stream.indirect_vreg.gather [hbm4b:s2+s3], $0x80, v4, vm0, $0xb8;
	[tilespmem:$0x10200] =	vst v63  }
0x2b: {  	_ = 	snop  }
0x2c: {  	[tilespmem:s18], [sflag:$0x1] =	stream.indirect_vreg.gather [hbm4b:s2+s3], $0x80, v3, vm0, $0xb8;
	[tilespmem:$0x10200] =	vst v63  }
0x2d: {  	v3 =	vld [tilespmem:$0x20];
	_ =	sdelay $0x4  }
0x2e: {  	v34 =	vshll.u32 v3, $0x1  }
0x2f: {  	v3 =	vand.u32 $0x7, v3;
	v4 =	vand.u32 $0xFFFFFFF0, v34  }
0x30: {  	v3 =	vor.u32 v3, v4  }
0x31: {  	v4 =	vperm.xlane v3, v0;
	_ =	sdelay $0x1  }
0x32: {  	v3 =	vperm.xlane v3, v2;
	v4 =	vadd.s32 v1, v4;
	_ =	sdelay $0x1  }
0x33: {  	v3 =	vadd.s32 v1, v3;
	_ =	sdelay $0x2  }
0x34: {  	[tilespmem:s19], [sflag:$0x1] =	stream.indirect_vreg.gather [hbm4b:s2+s3], $0x80, v4, vm0, $0xb8;
	[tilespmem:$0x10200] =	vst v63  }
0x35: {  	_ = 	snop  }
0x36: {  	[tilespmem:s20], [sflag:$0x1] =	stream.indirect_vreg.gather [hbm4b:s2+s3], $0x80, v3, vm0, $0xb8;
	[tilespmem:$0x10200] =	vst v63  }
0x37: {  	v3 =	vld [tilespmem:$0x30];
	_ =	sdelay $0x4  }
0x38: {  	v35 =	vshll.u32 v3, $0x1  }
0x39: {  	v3 =	vand.u32 $0x7, v3;
	v4 =	vand.u32 $0xFFFFFFF0, v35  }
0x3a: {  	v3 =	vor.u32 v3, v4  }
0x3b: {  	v4 =	vperm.xlane v3, v0;
	_ =	sdelay $0x1  }
0x3c: {  	v3 =	vperm.xlane v3, v2;
	v4 =	vadd.s32 v1, v4;
	_ =	sdelay $0x1  }
0x3d: {  	v3 =	vadd.s32 v1, v3;
	_ =	sdelay $0x2  }
0x3e: {  	[tilespmem:s21], [sflag:$0x1] =	stream.indirect_vreg.gather [hbm4b:s2+s3], $0x80, v4, vm0, $0xb8;
	[tilespmem:$0x10200] =	vst v63  }
0x3f: {  	_ = 	snop  }
0x40: {  	[tilespmem:s22], [sflag:$0x1] =	stream.indirect_vreg.gather [hbm4b:s2+s3], $0x80, v3, vm0, $0xb8;
	[tilespmem:$0x10200] =	vst v63  }
0x41: {  	v3 =	vld [tilespmem:$0x40];
	_ =	sdelay $0x4  }
0x42: {  	v36 =	vshll.u32 v3, $0x1  }
0x43: {  	v3 =	vand.u32 $0x7, v3;
	v4 =	vand.u32 $0xFFFFFFF0, v36  }
0x44: {  	v3 =	vor.u32 v3, v4  }
0x45: {  	v4 =	vperm.xlane v3, v0;
	_ =	sdelay $0x1  }
0x46: {  	v3 =	vperm.xlane v3, v2;
	v4 =	vadd.s32 v1, v4;
	_ =	sdelay $0x1  }
0x47: {  	v3 =	vadd.s32 v1, v3;
	_ =	sdelay $0x2  }
0x48: {  	[tilespmem:s24], [sflag:$0x1] =	stream.indirect_vreg.gather [hbm4b:s2+s3], $0x80, v4, vm0, $0xb8;
	[tilespmem:$0x10200] =	vst v63  }
0x49: {  	_ = 	snop  }
0x4a: {  	[tilespmem:s25], [sflag:$0x1] =	stream.indirect_vreg.gather [hbm4b:s2+s3], $0x80, v3, vm0, $0xb8;
	[tilespmem:$0x10200] =	vst v63  }
0x4b: {  	v3 =	vld [tilespmem:$0x50];
	_ =	sdelay $0x4  }
0x4c: {  	v37 =	vshll.u32 v3, $0x1  }
0x4d: {  	v3 =	vand.u32 $0x7, v3;
	v4 =	vand.u32 $0xFFFFFFF0, v37  }
0x4e: {  	v3 =	vor.u32 v3, v4  }
0x4f: {  	v4 =	vperm.xlane v3, v0;
	_ =	sdelay $0x1  }
0x50: {  	v3 =	vperm.xlane v3, v2;
	v4 =	vadd.s32 v1, v4;
	_ =	sdelay $0x1  }
0x51: {  	v3 =	vadd.s32 v1, v3;
	_ =	sdelay $0x2  }
0x52: {  	[tilespmem:s26], [sflag:$0x1] =	stream.indirect_vreg.gather [hbm4b:s2+s3], $0x80, v4, vm0, $0xb8;
	[tilespmem:$0x10200] =	vst v63  }
0x53: {  	_ = 	snop  }
0x54: {  	[tilespmem:s28], [sflag:$0x1] =	stream.indirect_vreg.gather [hbm4b:s2+s3], $0x80, v3, vm0, $0xb8;
	[tilespmem:$0x10200] =	vst v63  }
0x55: {  	v3 =	vld [tilespmem:$0x60];
	_ =	sdelay $0x4  }
0x56: {  	v38 =	vshll.u32 v3, $0x1  }
0x57: {  	v3 =	vand.u32 $0x7, v3;
	v4 =	vand.u32 $0xFFFFFFF0, v38  }
0x58: {  	v3 =	vor.u32 v3, v4  }
0x59: {  	v4 =	vperm.xlane v3, v0;
	_ =	sdelay $0x1  }
0x5a: {  	v3 =	vperm.xlane v3, v2;
	v4 =	vadd.s32 v1, v4;
	_ =	sdelay $0x1  }
0x5b: {  	v3 =	vadd.s32 v1, v3;
	_ =	sdelay $0x2  }
0x5c: {  	[tilespmem:s29], [sflag:$0x1] =	stream.indirect_vreg.gather [hbm4b:s2+s3], $0x80, v4, vm0, $0xb8;
	[tilespmem:$0x10200] =	vst v63  }
0x5d: {  	_ = 	snop  }
0x5e: {  	[tilespmem:s30], [sflag:$0x1] =	stream.indirect_vreg.gather [hbm4b:s2+s3], $0x80, v3, vm0, $0xb8;
	[tilespmem:$0x10200] =	vst v63  }
0x5f: {  	v3 =	vld [tilespmem:$0x70];
	_ =	sdelay $0x4  }
0x60: {  	v39 =	vshll.u32 v3, $0x1  }
0x61: {  	v3 =	vand.u32 $0x7, v3;
	v4 =	vand.u32 $0xFFFFFFF0, v39  }
0x62: {  	v3 =	vor.u32 v3, v4  }
0x63: {  	v4 =	vperm.xlane v3, v0;
	_ =	sdelay $0x1  }
0x64: {  	v3 =	vperm.xlane v3, v2;
	v4 =	vadd.s32 v1, v4;
	_ =	sdelay $0x1  }
0x65: {  	v3 =	vadd.s32 v1, v3;
	_ =	sdelay $0x2  }
0x66: {  	[tilespmem:s31], [sflag:$0x1] =	stream.indirect_vreg.gather [hbm4b:s2+s3], $0x80, v4, vm0, $0xb8;
	[tilespmem:$0x10200] =	vst v63  }
0x67: {  	s1 =	simm.s32 $0x7A00  }
0x68: {  	[tilespmem:s1], [sflag:$0x1] =	stream.indirect_vreg.gather [hbm4b:s2+s3], $0x80, v3, vm0, $0xb8;
	[tilespmem:$0x10200] =	vst v63  }
0x69: {  	v3 =	vld [tilespmem:$0x80];
	_ =	sdelay $0x4  }
0x6a: {  	v40 =	vshll.u32 v3, $0x1  }
0x6b: {  	v3 =	vand.u32 $0x7, v3;
	v4 =	vand.u32 $0xFFFFFFF0, v40  }
0x6c: {  	v3 =	vor.u32 v3, v4  }
0x6d: {  	v4 =	vperm.xlane v3, v0;
	_ =	sdelay $0x1  }
0x6e: {  	v3 =	vperm.xlane v3, v2;
	v4 =	vadd.s32 v1, v4;
	_ =	sdelay $0x1  }
0x6f: {  	v3 =	vadd.s32 v1, v3;
	_ =	sdelay $0x1  }
0x70: {  	s0 =	simm.s32 $0x8200  }
0x71: {  	[tilespmem:s0], [sflag:$0x2] =	stream.indirect_vreg.gather [hbm4b:s2+s3], $0x80, v4, vm0, $0xb8;
	[tilespmem:$0x10200] =	vst v63  }
0x72: {  	_ = 	snop  }
0x73: {  	[tilespmem:s23], [sflag:$0x2] =	stream.indirect_vreg.gather [hbm4b:s2+s3], $0x80, v3, vm0, $0xb8;
	[tilespmem:$0x10200] =	vst v63  }
0x74: {  	v3 =	vld [tilespmem:$0x90];
	_ =	sdelay $0x4  }
0x75: {  	v41 =	vshll.u32 v3, $0x1  }
0x76: {  	v3 =	vand.u32 $0x7, v3;
	v4 =	vand.u32 $0xFFFFFFF0, v41  }
0x77: {  	v3 =	vor.u32 v3, v4  }
0x78: {  	v4 =	vperm.xlane v3, v0;
	_ =	sdelay $0x1  }
0x79: {  	v3 =	vperm.xlane v3, v2;
	v4 =	vadd.s32 v1, v4;
	_ =	sdelay $0x1  }
0x7a: {  	v3 =	vadd.s32 v1, v3;
	_ =	sdelay $0x2  }
0x7b: {  	[tilespmem:s8], [sflag:$0x2] =	stream.indirect_vreg.gather [hbm4b:s2+s3], $0x80, v4, vm0, $0xb8;
	[tilespmem:$0x10200] =	vst v63  }
0x7c: {  	_ = 	snop  }
0x7d: {  	[tilespmem:s9], [sflag:$0x2] =	stream.indirect_vreg.gather [hbm4b:s2+s3], $0x80, v3, vm0, $0xb8;
	[tilespmem:$0x10200] =	vst v63  }
0x7e: {  	v3 =	vld [tilespmem:$0xA0];
	_ =	sdelay $0x4  }
0x7f: {  	v42 =	vshll.u32 v3, $0x1  }
0x80: {  	v3 =	vand.u32 $0x7, v3;
	v4 =	vand.u32 $0xFFFFFFF0, v42  }
0x81: {  	v3 =	vor.u32 v3, v4  }
0x82: {  	v4 =	vperm.xlane v3, v0;
	_ =	sdelay $0x1  }
0x83: {  	v3 =	vperm.xlane v3, v2;
	v4 =	vadd.s32 v1, v4;
	_ =	sdelay $0x1  }
0x84: {  	v3 =	vadd.s32 v1, v3;
	_ =	sdelay $0x2  }
0x85: {  	[tilespmem:s10], [sflag:$0x2] =	stream.indirect_vreg.gather [hbm4b:s2+s3], $0x80, v4, vm0, $0xb8;
	[tilespmem:$0x10200] =	vst v63  }
0x86: {  	_ = 	snop  }
0x87: {  	[tilespmem:s11], [sflag:$0x2] =	stream.indirect_vreg.gather [hbm4b:s2+s3], $0x80, v3, vm0, $0xb8;
	[tilespmem:$0x10200] =	vst v63  }
0x88: {  	v3 =	vld [tilespmem:$0xB0];
	_ =	sdelay $0x4  }
0x89: {  	v43 =	vshll.u32 v3, $0x1  }
0x8a: {  	v3 =	vand.u32 $0x7, v3;
	v4 =	vand.u32 $0xFFFFFFF0, v43  }
0x8b: {  	v3 =	vor.u32 v3, v4  }
0x8c: {  	v4 =	vperm.xlane v3, v0;
	_ =	sdelay $0x1  }
0x8d: {  	v3 =	vperm.xlane v3, v2;
	v4 =	vadd.s32 v1, v4;
	_ =	sdelay $0x1  }
0x8e: {  	v3 =	vadd.s32 v1, v3;
	_ =	sdelay $0x1  }
0x8f: {  	s7 =	simm.s32 $0xB200  }
0x90: {  	[tilespmem:s7], [sflag:$0x2] =	stream.indirect_vreg.gather [hbm4b:s2+s3], $0x80, v4, vm0, $0xb8;
	[tilespmem:$0x10200] =	vst v63  }
0x91: {  	_ = 	snop  }
0x92: {  	[tilespmem:s13], [sflag:$0x2] =	stream.indirect_vreg.gather [hbm4b:s2+s3], $0x80, v3, vm0, $0xb8;
	[tilespmem:$0x10200] =	vst v63  }
0x93: {  	v3 =	vld [tilespmem:$0xC0];
	_ =	sdelay $0x4  }
0x94: {  	v44 =	vshll.u32 v3, $0x1  }
0x95: {  	v3 =	vand.u32 $0x7, v3;
	v4 =	vand.u32 $0xFFFFFFF0, v44  }
0x96: {  	v3 =	vor.u32 v3, v4  }
0x97: {  	v4 =	vperm.xlane v3, v0;
	_ =	sdelay $0x1  }
0x98: {  	v3 =	vperm.xlane v3, v2;
	v4 =	vadd.s32 v1, v4;
	_ =	sdelay $0x1  }
0x99: {  	v3 =	vadd.s32 v1, v3;
	_ =	sdelay $0x1  }
0x9a: {  	s7 =	simm.s32 $0xC200  }
0x9b: {  	[tilespmem:s7], [sflag:$0x2] =	stream.indirect_vreg.gather [hbm4b:s2+s3], $0x80, v4, vm0, $0xb8;
	[tilespmem:$0x10200] =	vst v63  }
0x9c: {  	s12 =	simm.s32 $0xCA00  }
0x9d: {  	[tilespmem:s12], [sflag:$0x2] =	stream.indirect_vreg.gather [hbm4b:s2+s3], $0x80, v3, vm0, $0xb8;
	[tilespmem:$0x10200] =	vst v63  }
0x9e: {  	v3 =	vld [tilespmem:$0xD0];
	_ =	sdelay $0x4  }
0x9f: {  	v45 =	vshll.u32 v3, $0x1  }
0xa0: {  	v3 =	vand.u32 $0x7, v3;
	v4 =	vand.u32 $0xFFFFFFF0, v45  }
0xa1: {  	v3 =	vor.u32 v3, v4  }
0xa2: {  	v4 =	vperm.xlane v3, v0;
	_ =	sdelay $0x1  }
0xa3: {  	v3 =	vperm.xlane v3, v2;
	v4 =	vadd.s32 v1, v4;
	_ =	sdelay $0x1  }
0xa4: {  	v3 =	vadd.s32 v1, v3;
	_ =	sdelay $0x1  }
0xa5: {  	s12 =	simm.s32 $0xD200  }
0xa6: {  	[tilespmem:s12], [sflag:$0x2] =	stream.indirect_vreg.gather [hbm4b:s2+s3], $0x80, v4, vm0, $0xb8;
	[tilespmem:$0x10200] =	vst v63  }
0xa7: {  	s12 =	simm.s32 $0xDA00  }
0xa8: {  	[tilespmem:s12], [sflag:$0x2] =	stream.indirect_vreg.gather [hbm4b:s2+s3], $0x80, v3, vm0, $0xb8;
	[tilespmem:$0x10200] =	vst v63  }
0xa9: {  	v3 =	vld [tilespmem:$0xE0];
	_ =	sdelay $0x4  }
0xaa: {  	v46 =	vshll.u32 v3, $0x1  }
0xab: {  	v3 =	vand.u32 $0x7, v3;
	v4 =	vand.u32 $0xFFFFFFF0, v46  }
0xac: {  	v3 =	vor.u32 v3, v4  }
0xad: {  	v4 =	vperm.xlane v3, v0;
	_ =	sdelay $0x1  }
0xae: {  	v3 =	vperm.xlane v3, v2;
	v4 =	vadd.s32 v1, v4;
	_ =	sdelay $0x1  }
0xaf: {  	v3 =	vadd.s32 v1, v3;
	_ =	sdelay $0x1  }
0xb0: {  	s12 =	simm.s32 $0xE200  }
0xb1: {  	[tilespmem:s12], [sflag:$0x2] =	stream.indirect_vreg.gather [hbm4b:s2+s3], $0x80, v4, vm0, $0xb8;
	[tilespmem:$0x10200] =	vst v63  }
0xb2: {  	s12 =	simm.s32 $0xEA00  }
0xb3: {  	[tilespmem:s12], [sflag:$0x2] =	stream.indirect_vreg.gather [hbm4b:s2+s3], $0x80, v3, vm0, $0xb8;
	[tilespmem:$0x10200] =	vst v63  }
0xb4: {  	v3 =	vld [tilespmem:$0xF0];
	_ =	sdelay $0x4  }
0xb5: {  	v47 =	vshll.u32 v3, $0x1  }
0xb6: {  	v3 =	vand.u32 $0x7, v3;
	v4 =	vand.u32 $0xFFFFFFF0, v47  }
0xb7: {  	v3 =	vor.u32 v3, v4  }
0xb8: {  	v4 =	vperm.xlane v3, v0;
	_ =	sdelay $0x1  }
0xb9: {  	v3 =	vperm.xlane v3, v2;
	v4 =	vadd.s32 v1, v4;
	_ =	sdelay $0x1  }
0xba: {  	v3 =	vadd.s32 v1, v3;
	_ =	sdelay $0x1  }
0xbb: {  	s12 =	simm.s32 $0xF200  }
0xbc: {  	[tilespmem:s12], [sflag:$0x2] =	stream.indirect_vreg.gather [hbm4b:s2+s3], $0x80, v4, vm0, $0xb8;
	[tilespmem:$0x10200] =	vst v63  }
0xbd: {  	s12 =	simm.s32 $0xFA00  }
0xbe: {  	[tilespmem:s12], [sflag:$0x2] =	stream.indirect_vreg.gather [hbm4b:s2+s3], $0x80, v3, vm0, $0xb8;
	[tilespmem:$0x10200] =	vst v63  }
0xbf: {  	_ =	swait.ge [sflag:s4], $0x8000  }
0xc0: {  	[sflag:s4] =	ssyncset.done $0x0  }
0xc1: {  	s12 =	rddreg [dreg:$0x8];
	[sflag:s4] =	ssyncadd.s32 $0xFFFF8000  }
0xc2: {  	[hbm4b:s12+s3] =	stream.linear.scatter [tilespmem:s14], [sflag:$0x3], $0x8000, $0x38;
	[tilespmem:$0x10200] =	vst v63  }
0xc3: {  	_ =	swait.ge [sflag:s6], $0x8000  }
0xc4: {  	[sflag:s6] =	ssyncset.done $0x0  }
0xc5: {  	[sflag:s6] =	ssyncadd.s32 $0xFFFF8000  }
0xc6: {  	v3 =	vld [tilespmem:$0x100];
	_ =	sdelay $0x4  }
0xc7: {  	v48 =	vshll.u32 v3, $0x1  }
0xc8: {  	v3 =	vand.u32 $0x7, v3;
	v4 =	vand.u32 $0xFFFFFFF0, v48  }
0xc9: {  	v3 =	vor.u32 v3, v4  }
0xca: {  	v4 =	vperm.xlane v3, v0;
	_ =	sdelay $0x1  }
0xcb: {  	v3 =	vperm.xlane v3, v2;
	v4 =	vadd.s32 v1, v4;
	_ =	sdelay $0x1  }
0xcc: {  	v3 =	vadd.s32 v1, v3;
	_ =	sdelay $0x2  }
0xcd: {  	[tilespmem:s14], [sflag:$0x1] =	stream.indirect_vreg.gather [hbm4b:s2+s3], $0x80, v4, vm0, $0xb8;
	[tilespmem:$0x10200] =	vst v63  }
0xce: {  	_ = 	snop  }
0xcf: {  	[tilespmem:s16], [sflag:$0x1] =	stream.indirect_vreg.gather [hbm4b:s2+s3], $0x80, v3, vm0, $0xb8;
	[tilespmem:$0x10200] =	vst v63  }
0xd0: {  	v3 =	vld [tilespmem:$0x110];
	_ =	sdelay $0x4  }
0xd1: {  	v49 =	vshll.u32 v3, $0x1  }
0xd2: {  	v3 =	vand.u32 $0x7, v3;
	v4 =	vand.u32 $0xFFFFFFF0, v49  }
0xd3: {  	v3 =	vor.u32 v3, v4  }
0xd4: {  	v4 =	vperm.xlane v3, v0;
	_ =	sdelay $0x1  }
0xd5: {  	v3 =	vperm.xlane v3, v2;
	v4 =	vadd.s32 v1, v4;
	_ =	sdelay $0x1  }
0xd6: {  	v3 =	vadd.s32 v1, v3;
	_ =	sdelay $0x2  }
0xd7: {  	[tilespmem:s17], [sflag:$0x1] =	stream.indirect_vreg.gather [hbm4b:s2+s3], $0x80, v4, vm0, $0xb8;
	[tilespmem:$0x10200] =	vst v63  }
0xd8: {  	_ = 	snop  }
0xd9: {  	[tilespmem:s18], [sflag:$0x1] =	stream.indirect_vreg.gather [hbm4b:s2+s3], $0x80, v3, vm0, $0xb8;
	[tilespmem:$0x10200] =	vst v63  }
0xda: {  	v3 =	vld [tilespmem:$0x120];
	_ =	sdelay $0x4  }
0xdb: {  	v50 =	vshll.u32 v3, $0x1  }
0xdc: {  	v3 =	vand.u32 $0x7, v3;
	v4 =	vand.u32 $0xFFFFFFF0, v50  }
0xdd: {  	v3 =	vor.u32 v3, v4  }
0xde: {  	v4 =	vperm.xlane v3, v0;
	_ =	sdelay $0x1  }
0xdf: {  	v3 =	vperm.xlane v3, v2;
	v4 =	vadd.s32 v1, v4;
	_ =	sdelay $0x1  }
0xe0: {  	v3 =	vadd.s32 v1, v3;
	_ =	sdelay $0x2  }
0xe1: {  	[tilespmem:s19], [sflag:$0x1] =	stream.indirect_vreg.gather [hbm4b:s2+s3], $0x80, v4, vm0, $0xb8;
	[tilespmem:$0x10200] =	vst v63  }
0xe2: {  	_ = 	snop  }
0xe3: {  	[tilespmem:s20], [sflag:$0x1] =	stream.indirect_vreg.gather [hbm4b:s2+s3], $0x80, v3, vm0, $0xb8;
	[tilespmem:$0x10200] =	vst v63  }
0xe4: {  	v3 =	vld [tilespmem:$0x130];
	_ =	sdelay $0x4  }
0xe5: {  	v51 =	vshll.u32 v3, $0x1  }
0xe6: {  	v3 =	vand.u32 $0x7, v3;
	v4 =	vand.u32 $0xFFFFFFF0, v51  }
0xe7: {  	v3 =	vor.u32 v3, v4  }
0xe8: {  	v4 =	vperm.xlane v3, v0;
	_ =	sdelay $0x1  }
0xe9: {  	v3 =	vperm.xlane v3, v2;
	v4 =	vadd.s32 v1, v4;
	_ =	sdelay $0x1  }
0xea: {  	v3 =	vadd.s32 v1, v3;
	_ =	sdelay $0x2  }
0xeb: {  	[tilespmem:s21], [sflag:$0x1] =	stream.indirect_vreg.gather [hbm4b:s2+s3], $0x80, v4, vm0, $0xb8;
	[tilespmem:$0x10200] =	vst v63  }
0xec: {  	_ = 	snop  }
0xed: {  	[tilespmem:s22], [sflag:$0x1] =	stream.indirect_vreg.gather [hbm4b:s2+s3], $0x80, v3, vm0, $0xb8;
	[tilespmem:$0x10200] =	vst v63  }
0xee: {  	v3 =	vld [tilespmem:$0x140];
	_ =	sdelay $0x4  }
0xef: {  	v52 =	vshll.u32 v3, $0x1  }
0xf0: {  	v3 =	vand.u32 $0x7, v3;
	v4 =	vand.u32 $0xFFFFFFF0, v52  }
0xf1: {  	v3 =	vor.u32 v3, v4  }
0xf2: {  	v4 =	vperm.xlane v3, v0;
	_ =	sdelay $0x1  }
0xf3: {  	v3 =	vperm.xlane v3, v2;
	v4 =	vadd.s32 v1, v4;
	_ =	sdelay $0x1  }
0xf4: {  	v3 =	vadd.s32 v1, v3;
	_ =	sdelay $0x2  }
0xf5: {  	[tilespmem:s24], [sflag:$0x1] =	stream.indirect_vreg.gather [hbm4b:s2+s3], $0x80, v4, vm0, $0xb8;
	[tilespmem:$0x10200] =	vst v63  }
0xf6: {  	_ = 	snop  }
0xf7: {  	[tilespmem:s25], [sflag:$0x1] =	stream.indirect_vreg.gather [hbm4b:s2+s3], $0x80, v3, vm0, $0xb8;
	[tilespmem:$0x10200] =	vst v63  }
0xf8: {  	v3 =	vld [tilespmem:$0x150];
	_ =	sdelay $0x4  }
0xf9: {  	v53 =	vshll.u32 v3, $0x1  }
0xfa: {  	v3 =	vand.u32 $0x7, v3;
	v4 =	vand.u32 $0xFFFFFFF0, v53  }
0xfb: {  	v3 =	vor.u32 v3, v4  }
0xfc: {  	v4 =	vperm.xlane v3, v0;
	_ =	sdelay $0x1  }
0xfd: {  	v3 =	vperm.xlane v3, v2;
	v4 =	vadd.s32 v1, v4;
	_ =	sdelay $0x1  }
0xfe: {  	v3 =	vadd.s32 v1, v3;
	_ =	sdelay $0x2  }
0xff: {  	[tilespmem:s26], [sflag:$0x1] =	stream.indirect_vreg.gather [hbm4b:s2+s3], $0x80, v4, vm0, $0xb8;
	[tilespmem:$0x10200] =	vst v63  }
0x100: {  	_ = 	snop  }
0x101: {  	[tilespmem:s28], [sflag:$0x1] =	stream.indirect_vreg.gather [hbm4b:s2+s3], $0x80, v3, vm0, $0xb8;
	[tilespmem:$0x10200] =	vst v63  }
0x102: {  	v3 =	vld [tilespmem:$0x160];
	_ =	sdelay $0x4  }
0x103: {  	v54 =	vshll.u32 v3, $0x1  }
0x104: {  	v3 =	vand.u32 $0x7, v3;
	v4 =	vand.u32 $0xFFFFFFF0, v54  }
0x105: {  	v3 =	vor.u32 v3, v4  }
0x106: {  	v4 =	vperm.xlane v3, v0;
	_ =	sdelay $0x1  }
0x107: {  	v3 =	vperm.xlane v3, v2;
	v4 =	vadd.s32 v1, v4;
	_ =	sdelay $0x1  }
0x108: {  	v3 =	vadd.s32 v1, v3;
	_ =	sdelay $0x2  }
0x109: {  	[tilespmem:s29], [sflag:$0x1] =	stream.indirect_vreg.gather [hbm4b:s2+s3], $0x80, v4, vm0, $0xb8;
	[tilespmem:$0x10200] =	vst v63  }
0x10a: {  	_ = 	snop  }
0x10b: {  	[tilespmem:s30], [sflag:$0x1] =	stream.indirect_vreg.gather [hbm4b:s2+s3], $0x80, v3, vm0, $0xb8;
	[tilespmem:$0x10200] =	vst v63  }
0x10c: {  	v3 =	vld [tilespmem:$0x170];
	_ =	sdelay $0x4  }
0x10d: {  	v55 =	vshll.u32 v3, $0x1  }
0x10e: {  	v3 =	vand.u32 $0x7, v3;
	v4 =	vand.u32 $0xFFFFFFF0, v55  }
0x10f: {  	v3 =	vor.u32 v3, v4  }
0x110: {  	v4 =	vperm.xlane v3, v0;
	_ =	sdelay $0x1  }
0x111: {  	v3 =	vperm.xlane v3, v2;
	v4 =	vadd.s32 v1, v4;
	_ =	sdelay $0x1  }
0x112: {  	v3 =	vadd.s32 v1, v3;
	_ =	sdelay $0x2  }
0x113: {  	[tilespmem:s31], [sflag:$0x1] =	stream.indirect_vreg.gather [hbm4b:s2+s3], $0x80, v4, vm0, $0xb8;
	[tilespmem:$0x10200] =	vst v63  }
0x114: {  	_ = 	snop  }
0x115: {  	[tilespmem:s1], [sflag:$0x1] =	stream.indirect_vreg.gather [hbm4b:s2+s3], $0x80, v3, vm0, $0xb8;
	[tilespmem:$0x10200] =	vst v63  }
0x116: {  	_ =	swait.ge [sflag:s15], $0x8000  }
0x117: {  	[sflag:s15] =	ssyncset.done $0x0  }
0x118: {  	s1 =	rddreg [dreg:$0x5];
	[sflag:s15] =	ssyncadd.s32 $0xFFFF8000  }
0x119: {  	[hbm4b:s1+s3] =	stream.linear.scatter [tilespmem:s0], [sflag:$0x3], $0x8000, $0x38;
	[tilespmem:$0x10200] =	vst v63  }
0x11a: {  	_ =	swait.ge [sflag:s6], $0x8000  }
0x11b: {  	[sflag:s6] =	ssyncset.done $0x0  }
0x11c: {  	[sflag:s6] =	ssyncadd.s32 $0xFFFF8000  }
0x11d: {  	v3 =	vld [tilespmem:$0x180];
	_ =	sdelay $0x4  }
0x11e: {  	v56 =	vshll.u32 v3, $0x1  }
0x11f: {  	v3 =	vand.u32 $0x7, v3;
	v4 =	vand.u32 $0xFFFFFFF0, v56  }
0x120: {  	v3 =	vor.u32 v3, v4  }
0x121: {  	v4 =	vperm.xlane v3, v0;
	_ =	sdelay $0x1  }
0x122: {  	v3 =	vperm.xlane v3, v2;
	v4 =	vadd.s32 v1, v4;
	_ =	sdelay $0x1  }
0x123: {  	v3 =	vadd.s32 v1, v3;
	_ =	sdelay $0x2  }
0x124: {  	[tilespmem:s0], [sflag:$0x2] =	stream.indirect_vreg.gather [hbm4b:s2+s3], $0x80, v4, vm0, $0xb8;
	[tilespmem:$0x10200] =	vst v63  }
0x125: {  	_ = 	snop  }
0x126: {  	[tilespmem:s23], [sflag:$0x2] =	stream.indirect_vreg.gather [hbm4b:s2+s3], $0x80, v3, vm0, $0xb8;
	[tilespmem:$0x10200] =	vst v63  }
0x127: {  	v3 =	vld [tilespmem:$0x190];
	_ =	sdelay $0x4  }
0x128: {  	v57 =	vshll.u32 v3, $0x1  }
0x129: {  	v3 =	vand.u32 $0x7, v3;
	v4 =	vand.u32 $0xFFFFFFF0, v57  }
0x12a: {  	v3 =	vor.u32 v3, v4  }
0x12b: {  	v4 =	vperm.xlane v3, v0;
	_ =	sdelay $0x1  }
0x12c: {  	v3 =	vperm.xlane v3, v2;
	v4 =	vadd.s32 v1, v4;
	_ =	sdelay $0x1  }
0x12d: {  	v3 =	vadd.s32 v1, v3;
	_ =	sdelay $0x2  }
0x12e: {  	[tilespmem:s8], [sflag:$0x2] =	stream.indirect_vreg.gather [hbm4b:s2+s3], $0x80, v4, vm0, $0xb8;
	[tilespmem:$0x10200] =	vst v63  }
0x12f: {  	_ = 	snop  }
0x130: {  	[tilespmem:s9], [sflag:$0x2] =	stream.indirect_vreg.gather [hbm4b:s2+s3], $0x80, v3, vm0, $0xb8;
	[tilespmem:$0x10200] =	vst v63  }
0x131: {  	v3 =	vld [tilespmem:$0x1A0];
	_ =	sdelay $0x4  }
0x132: {  	v58 =	vshll.u32 v3, $0x1  }
0x133: {  	v3 =	vand.u32 $0x7, v3;
	v4 =	vand.u32 $0xFFFFFFF0, v58  }
0x134: {  	v3 =	vor.u32 v3, v4  }
0x135: {  	v4 =	vperm.xlane v3, v0;
	_ =	sdelay $0x1  }
0x136: {  	v3 =	vperm.xlane v3, v2;
	v4 =	vadd.s32 v1, v4;
	_ =	sdelay $0x1  }
0x137: {  	v3 =	vadd.s32 v1, v3;
	_ =	sdelay $0x2  }
0x138: {  	[tilespmem:s10], [sflag:$0x2] =	stream.indirect_vreg.gather [hbm4b:s2+s3], $0x80, v4, vm0, $0xb8;
	[tilespmem:$0x10200] =	vst v63  }
0x139: {  	_ = 	snop  }
0x13a: {  	[tilespmem:s11], [sflag:$0x2] =	stream.indirect_vreg.gather [hbm4b:s2+s3], $0x80, v3, vm0, $0xb8;
	[tilespmem:$0x10200] =	vst v63  }
0x13b: {  	v3 =	vld [tilespmem:$0x1B0];
	_ =	sdelay $0x4  }
0x13c: {  	v59 =	vshll.u32 v3, $0x1  }
0x13d: {  	v3 =	vand.u32 $0x7, v3;
	v4 =	vand.u32 $0xFFFFFFF0, v59  }
0x13e: {  	v3 =	vor.u32 v3, v4  }
0x13f: {  	v4 =	vperm.xlane v3, v0;
	_ =	sdelay $0x1  }
0x140: {  	v3 =	vperm.xlane v3, v2;
	v4 =	vadd.s32 v1, v4;
	_ =	sdelay $0x1  }
0x141: {  	v3 =	vadd.s32 v1, v3;
	_ =	sdelay $0x1  }
0x142: {  	s16 =	simm.s32 $0xB200  }
0x143: {  	[tilespmem:s16], [sflag:$0x2] =	stream.indirect_vreg.gather [hbm4b:s2+s3], $0x80, v4, vm0, $0xb8;
	[tilespmem:$0x10200] =	vst v63  }
0x144: {  	_ = 	snop  }
0x145: {  	[tilespmem:s13], [sflag:$0x2] =	stream.indirect_vreg.gather [hbm4b:s2+s3], $0x80, v3, vm0, $0xb8;
	[tilespmem:$0x10200] =	vst v63  }
0x146: {  	v3 =	vld [tilespmem:$0x1C0];
	_ =	sdelay $0x4  }
0x147: {  	v60 =	vshll.u32 v3, $0x1  }
0x148: {  	v3 =	vand.u32 $0x7, v3;
	v4 =	vand.u32 $0xFFFFFFF0, v60  }
0x149: {  	v3 =	vor.u32 v3, v4  }
0x14a: {  	v4 =	vperm.xlane v3, v0;
	_ =	sdelay $0x1  }
0x14b: {  	v3 =	vperm.xlane v3, v2;
	v4 =	vadd.s32 v1, v4;
	_ =	sdelay $0x1  }
0x14c: {  	v3 =	vadd.s32 v1, v3;
	_ =	sdelay $0x2  }
0x14d: {  	[tilespmem:s7], [sflag:$0x2] =	stream.indirect_vreg.gather [hbm4b:s2+s3], $0x80, v4, vm0, $0xb8;
	[tilespmem:$0x10200] =	vst v63  }
0x14e: {  	s16 =	simm.s32 $0xCA00  }
0x14f: {  	[tilespmem:s16], [sflag:$0x2] =	stream.indirect_vreg.gather [hbm4b:s2+s3], $0x80, v3, vm0, $0xb8;
	[tilespmem:$0x10200] =	vst v63  }
0x150: {  	v3 =	vld [tilespmem:$0x1D0];
	_ =	sdelay $0x4  }
0x151: {  	v61 =	vshll.u32 v3, $0x1  }
0x152: {  	v3 =	vand.u32 $0x7, v3;
	v4 =	vand.u32 $0xFFFFFFF0, v61  }
0x153: {  	v3 =	vor.u32 v3, v4  }
0x154: {  	v4 =	vperm.xlane v3, v0;
	_ =	sdelay $0x1  }
0x155: {  	v3 =	vperm.xlane v3, v2;
	v4 =	vadd.s32 v1, v4;
	_ =	sdelay $0x1  }
0x156: {  	v3 =	vadd.s32 v1, v3;
	_ =	sdelay $0x1  }
0x157: {  	s7 =	simm.s32 $0xD200  }
0x158: {  	[tilespmem:s7], [sflag:$0x2] =	stream.indirect_vreg.gather [hbm4b:s2+s3], $0x80, v4, vm0, $0xb8;
	[tilespmem:$0x10200] =	vst v63  }
0x159: {  	s16 =	simm.s32 $0xDA00  }
0x15a: {  	[tilespmem:s16], [sflag:$0x2] =	stream.indirect_vreg.gather [hbm4b:s2+s3], $0x80, v3, vm0, $0xb8;
	[tilespmem:$0x10200] =	vst v63  }
0x15b: {  	v3 =	vld [tilespmem:$0x1E0];
	_ =	sdelay $0x4  }
0x15c: {  	v62 =	vshll.u32 v3, $0x1  }
0x15d: {  	v3 =	vand.u32 $0x7, v3;
	v4 =	vand.u32 $0xFFFFFFF0, v62  }
0x15e: {  	v3 =	vor.u32 v3, v4  }
0x15f: {  	v4 =	vperm.xlane v3, v0;
	_ =	sdelay $0x1  }
0x160: {  	v3 =	vperm.xlane v3, v2;
	v4 =	vadd.s32 v1, v4;
	_ =	sdelay $0x1  }
0x161: {  	v3 =	vadd.s32 v1, v3;
	_ =	sdelay $0x1  }
0x162: {  	s7 =	simm.s32 $0xE200  }
0x163: {  	[tilespmem:s7], [sflag:$0x2] =	stream.indirect_vreg.gather [hbm4b:s2+s3], $0x80, v4, vm0, $0xb8;
	[tilespmem:$0x10200] =	vst v63  }
0x164: {  	s16 =	simm.s32 $0xEA00  }
0x165: {  	[tilespmem:s16], [sflag:$0x2] =	stream.indirect_vreg.gather [hbm4b:s2+s3], $0x80, v3, vm0, $0xb8;
	[tilespmem:$0x10200] =	vst v63  }
0x166: {  	v3 =	vld [tilespmem:$0x1F0];
	_ =	sdelay $0x4  }
0x167: {  	v63 =	vshll.u32 v3, $0x1  }
0x168: {  	v3 =	vand.u32 $0x7, v3;
	v4 =	vand.u32 $0xFFFFFFF0, v63  }
0x169: {  	v3 =	vor.u32 v3, v4  }
0x16a: {  	v4 =	vperm.xlane v3, v0;
	_ =	sdelay $0x1  }
0x16b: {  	v3 =	vperm.xlane v3, v2;
	v4 =	vadd.s32 v1, v4;
	_ =	sdelay $0x1  }
0x16c: {  	v3 =	vadd.s32 v1, v3;
	_ =	sdelay $0x1  }
0x16d: {  	s7 =	simm.s32 $0xF200  }
0x16e: {  	[tilespmem:s7], [sflag:$0x2] =	stream.indirect_vreg.gather [hbm4b:s2+s3], $0x80, v4, vm0, $0xb8;
	[tilespmem:$0x10200] =	vst v63  }
0x16f: {  	s16 =	simm.s32 $0xFA00  }
0x170: {  	[tilespmem:s16], [sflag:$0x2] =	stream.indirect_vreg.gather [hbm4b:s2+s3], $0x80, v3, vm0, $0xb8;
	[tilespmem:$0x10200] =	vst v63  }
0x171: {  	_ =	swait.ge [sflag:s4], $0x8000  }
0x172: {  	[sflag:s4] =	ssyncset.done $0x0  }
0x173: {  	s12 =	simm.s32 $0x200;
	s7 =	rddreg [dreg:$0x6];
	[sflag:s4] =	ssyncadd.s32 $0xFFFF8000  }
0x174: {  	[hbm4b:s7+s3] =	stream.linear.scatter [tilespmem:s12], [sflag:$0x3], $0x8000, $0x38;
	[tilespmem:$0x10200] =	vst v63  }
0x175: {  	_ =	swait.ge [sflag:s6], $0x8000  }
0x176: {  	[sflag:s6] =	ssyncset.done $0x0  }
0x177: {  	[sflag:s6] =	ssyncadd.s32 $0xFFFF8000  }
0x178: {  	_ =	swait.ge [sflag:s15], $0x8000  }
0x179: {  	p0 =	sne.s32 s5, $0x1;
	[sflag:s15] =	ssyncset.done $0x0  }
.Ltmp0:
0x17a: {  	s12 =	rddreg [dreg:$0x7];
	[sflag:s15] =	ssyncadd.s32 $0xFFFF8000;
	(pc) =	sbr.rel @p0 .LBB2_1-.Ltmp0, $4  }
0x17b: {  	[hbm4b:s12+s3] =	stream.linear.scatter [tilespmem:s0], [sflag:$0x3], $0x8000, $0x38;
	[tilespmem:$0x10200] =	vst v63  }
0x17c: {  	_ =	swait.ge [sflag:s6], $0x8000  }
0x17d: {  	[sflag:s6] =	ssyncset.done $0x0  }
0x17e: {  	s5 =	sadd.s32 $0xFFFFFFFF, s5;
	[sflag:s6] =	ssyncadd.s32 $0xFFFF8000  }
0x17f: {  	_ =	sfence.sel $0x180000  }
0x180: {  	[bflag:$0x0] =	sbarrier.arrive $0xFFFF  }
0x181: {  	_ =	strace $0x90000047  }
0x182: {  	s0 =	stileid.u32;
	[bflag:$0x2] =	sbarrier.arrive $0xFFFF  }
0x183: {  	p0 =	sne.s32 s0, $0x0;
	s0 =	rddreg [dreg:$0x3]  }
0x184: {  	s0 =	sadd.s32 @!p0 $0x100000, s0  }
0x185: {  	[sflag:s0] =	ssyncadd.tile.s32 @!p0 $0x1;
	_ =	shalt  }
.Lfunc_end2:
_tile_overlayer_lowered:
.L_overlay_start_2:
0x186: {  	(tag) =	ssettag $0x2  }
0x187: {  	s0 =	rddreg [dreg:$0x0];
	s2 =	stileid.u32  }
0x188: {  	s1 =	rddreg [dreg:$0x1];
	p0 =	sne.s32 s2, $0x0  }
0x189: {  	s3 =	rddreg [dreg:$0x2];
	[bflag:$0x3] =	sbarrier.arrive $0xFFFF;
	s2 =	simm.s32 @!p0 $0x1C03  }
0x18a: {  	[timem:s3], [sflag:s2] =	dma.local @!p0 [hbm:s0], s1  }
0x18b: {  	s0 =	simm.s32 @!p0 $0x3  }
0x18c: {  	_ =	swait.ge @!p0 [sflag:s0], s1  }
0x18d: {  	s1 =	ssub.s32 @!p0 $0x0, s1;
	[sflag:s0] =	ssyncset.done @!p0 $0x0  }
0x18e: {  	[sflag:s0] =	ssyncadd.s32 @!p0 s1  }
0x18f: {  	[bflag:$0x3] =	sbarrier.arrive $0xFFFF  }
0x190: {  	_ =	shalt  }

</sc_bundles>
